<compile_context>
chip_gen: v7x
topology: tpu7x:2x2x1
jax: 0.10.2.dev20260603
libtpu: 0.0.44.dev20260713+nightly
codegen_flags: <defaults>
</compile_context>

<pallas_src>
import functools

import jax
import jax.numpy as jnp
from jax import lax
from jax.experimental import pallas as pl
from jax.experimental.pallas import tpu as pltpu
from jax.experimental.pallas import tpu_sc as plsc
from jax.experimental.compute_on import compute_on2


_BLOCK_S = 512
_C = 32
_NW = 32
_LANES = 16


def _tc_add_kernel(x_ref, pos_ref, out_ref):
    out_ref[...] = x_ref[...] + pos_ref[...]


def _tc_batches012(x, pos, seq_len, d_model):
    return pl.pallas_call(
        _tc_add_kernel,
        grid=(seq_len // _BLOCK_S, 3),
        in_specs=[
            pl.BlockSpec((1, _BLOCK_S, d_model), lambda s, b: (b, s, 0)),
            pl.BlockSpec((_BLOCK_S, d_model), lambda s, b: (s, 0)),
        ],
        out_specs=pl.BlockSpec((1, _BLOCK_S, d_model), lambda s, b: (b, s, 0)),
        out_shape=jax.ShapeDtypeStruct((4, seq_len, d_model), x.dtype),
    )(x, pos)


def _sc_batch3_body(x_hbm, pos_hbm, out_hbm, pos_v, x_v):
    wid = lax.axis_index("s") * 2 + lax.axis_index("c")
    rows_per_worker = 8192 // _NW
    s_base = wid * rows_per_worker

    def chunk_body(ci, carry):
        s0 = s_base + ci * _C
        pltpu.sync_copy(pos_hbm.at[pl.ds(s0, _C)], pos_v)
        pltpu.sync_copy(x_hbm.at[3, pl.ds(s0, _C)], x_v)

        def row_body(r, c2):
            for i in range(1024 // _LANES):
                sl = pl.ds(i * _LANES, _LANES)
                x_v[r, sl] = x_v[r, sl] + pos_v[r, sl]
            return c2

        lax.fori_loop(0, _C, row_body, 0)
        pltpu.sync_copy(x_v, out_hbm.at[0, pl.ds(s0, _C)])
        return carry

    lax.fori_loop(0, rows_per_worker // _C, chunk_body, 0)


def _sc_batch3(x, pos, seq_len, d_model):
    mesh = plsc.VectorSubcoreMesh(core_axis_name="c", subcore_axis_name="s")
    fn = functools.partial(
        pl.kernel,
        mesh=mesh,
        out_type=jax.ShapeDtypeStruct((1, seq_len, d_model), jnp.float32),
        scratch_types=[
            pltpu.VMEM((_C, d_model), jnp.float32),
            pltpu.VMEM((_C, d_model), jnp.float32),
        ],
    )(_sc_batch3_body)
    from jax._src import core as _jcore
    wrapped = compute_on2(
        lambda xx, pp: fn(xx, pp),
        compute_type="tpu_sparsecore",
        out_memory_spaces=_jcore.MemorySpace.Device,
    )
    return wrapped(x, pos)


def kernel(x, pos_emb):
    batch, seq_len, d_model = x.shape
    pos = pos_emb[:seq_len]
    tc_full = _tc_batches012(x, pos, seq_len, d_model)
    sc3 = _sc_batch3(x, pos, seq_len, d_model)
    tc_full, sc3 = lax.optimization_barrier((tc_full, sc3))
    return lax.dynamic_update_slice(tc_full, sc3, (3, 0, 0))

# --- scband reference (transcript-rebuilt; emitter-appended) ---
"""Pipeline reference for scband-learned-positional-encoding-30614526886404 (READ-ONLY COPY).

The authoritative reference and input builder live on the scoring server;
editing this copy changes nothing except your own understanding.
"""

import jax, jax.numpy as jnp
import numpy as np

MAX_LEN = 8192
D_MODEL = 1024
BATCH = 4
SEQ_LEN = 8192

def setup_inputs(seed: int = 0) -> dict:
    key = jax.random.key(seed)
    k1, k2 = jax.random.split(key)
    x = jax.random.normal(k1, (BATCH, SEQ_LEN, D_MODEL), dtype=jnp.float32)
    # glorot_uniform init for pos_emb [max_len, d_model]
    limit = np.sqrt(6.0 / (MAX_LEN + D_MODEL))
    pos_emb = jax.random.uniform(k2, (MAX_LEN, D_MODEL), dtype=jnp.float32, minval=-limit, maxval=limit)
    return {"x": x, "pos_emb": pos_emb}

def reference(x, pos_emb):
    seq_len = x.shape[1]
    return x + pos_emb[jnp.newaxis, :seq_len, :]

if __name__ == "__main__":
    import jax
    _d = setup_inputs()
    print(jax.jit(kernel)(*tuple(_d.values())))

</pallas_src>

<mosaic_0001>
#map = affine_map<(d0, d1) -> (0, 0, 0)>
#map1 = affine_map<(d0, d1) -> (0, 0)>
module attributes {stable_mosaic.version = 14 : i64} {
  func.func @_sc_batch3_body(%arg0: i32, %arg1: i32, %arg2: memref<4x8192x1024xf32, #tpu.memory_space<hbm>>, %arg3: memref<8192x1024xf32, #tpu.memory_space<hbm>>, %arg4: memref<1x8192x1024xf32, #tpu.memory_space<hbm>>, %arg5: memref<32x1024xf32, #tpu.memory_space<vmem>>, %arg6: memref<32x1024xf32, #tpu.memory_space<vmem>>) attributes {dimension_semantics = [#tpu.dimension_semantics<core_parallel>, #tpu.dimension_semantics<subcore_parallel>], iteration_bounds = array<i64: 2, 16>, scalar_prefetch = 0 : i64, scratch_operands = 2 : i64, tpu.core_type = #tpu.core_type<sc_vector_subcore>, window_params = [{transform_indices = #map}, {transform_indices = #map1}, {transform_indices = #map}]} {
    %mul3A = arith.constant 2 : i32
    %mul3A_0 = arith.muli %arg1, %mul3A : i32
    %add3A = arith.addi %mul3A_0, %arg0 : i32
    %mul3A_1 = arith.constant 256 : i32
    %mul3A_2 = arith.muli %add3A, %mul3A_1 : i32
    %scan3A = arith.constant 0 : i32
    %scan3A_3 = arith.constant 0 : i32
    %scan3A_4 = arith.constant 8 : i32
    %scan3A_5 = arith.addi %scan3A_3, %scan3A_4 : i32
    %scan3A_6 = arith.constant 1 : i32
    scf.for %scan3A_8 = %scan3A_3 to %scan3A_5 step %scan3A_6  : i32 {
      %mul3A_9 = arith.constant 32 : i32
      %mul3A_10 = arith.muli %scan3A_8, %mul3A_9 : i32
      %add3A_11 = arith.addi %mul3A_2, %mul3A_10 : i32
      "tpu.region"() ({
        %run_scoped3A_19 = tpu.sem_alloc : memref<!tpu.dma_semaphore, #tpu.memory_space<semaphore_mem>>
        %dma_start3A = arith.constant 0 : i32
        %dma_start3A_20 = tpu.memref_slice %arg3[%add3A_11, %dma_start3A] : memref<8192x1024xf32, #tpu.memory_space<hbm>> -> memref<32x1024xf32, #tpu.memory_space<hbm>>
        %dma_start3A_21 = arith.constant 0 : i32
        %dma_start3A_22 = tpu.memref_slice %arg3[%add3A_11, %dma_start3A_21] : memref<8192x1024xf32, #tpu.memory_space<hbm>> -> memref<32x1024xf32, #tpu.memory_space<hbm>>
        tpu.enqueue_dma source(%dma_start3A_22 : memref<32x1024xf32, #tpu.memory_space<hbm>>) target(%arg5 : memref<32x1024xf32, #tpu.memory_space<vmem>>) target_semaphore(%run_scoped3A_19 : memref<!tpu.dma_semaphore, #tpu.memory_space<semaphore_mem>>)
        %dma_wait3A = arith.constant 0 : i32
        %dma_wait3A_23 = tpu.memref_slice %arg3[%add3A_11, %dma_wait3A] : memref<8192x1024xf32, #tpu.memory_space<hbm>> -> memref<32x1024xf32, #tpu.memory_space<hbm>>
        %dma_wait3A_24 = arith.constant 0 : i32
        %dma_wait3A_25 = tpu.memref_slice %arg3[%add3A_11, %dma_wait3A_24] : memref<8192x1024xf32, #tpu.memory_space<hbm>> -> memref<32x1024xf32, #tpu.memory_space<hbm>>
        tpu.wait_dma2 semaphore(%run_scoped3A_19 : memref<!tpu.dma_semaphore, #tpu.memory_space<semaphore_mem>>) src(%dma_wait3A_25 : memref<32x1024xf32, #tpu.memory_space<hbm>>) dst(%arg5 : memref<32x1024xf32, #tpu.memory_space<vmem>>)
        tpu.yield
      }) : () -> ()
      %run_scoped3A = arith.constant 3 : i32
      "tpu.region"() ({
        %run_scoped3A_19 = tpu.sem_alloc : memref<!tpu.dma_semaphore, #tpu.memory_space<semaphore_mem>>
        %dma_start3A = arith.constant 0 : i32
        %dma_start3A_20 = tpu.memref_slice %arg2[%run_scoped3A, %add3A_11, %dma_start3A] : memref<4x8192x1024xf32, #tpu.memory_space<hbm>> -> memref<1x32x1024xf32, #tpu.memory_space<hbm>>
        %dma_start3A_21 = tpu.memref_squeeze %dma_start3A_20 : memref<1x32x1024xf32, #tpu.memory_space<hbm>> -> memref<32x1024xf32, #tpu.memory_space<hbm>>
        %dma_start3A_22 = arith.constant 0 : i32
        %dma_start3A_23 = tpu.memref_slice %arg2[%run_scoped3A, %add3A_11, %dma_start3A_22] : memref<4x8192x1024xf32, #tpu.memory_space<hbm>> -> memref<1x32x1024xf32, #tpu.memory_space<hbm>>
        %dma_start3A_24 = tpu.memref_squeeze %dma_start3A_23 : memref<1x32x1024xf32, #tpu.memory_space<hbm>> -> memref<32x1024xf32, #tpu.memory_space<hbm>>
        tpu.enqueue_dma source(%dma_start3A_24 : memref<32x1024xf32, #tpu.memory_space<hbm>>) target(%arg6 : memref<32x1024xf32, #tpu.memory_space<vmem>>) target_semaphore(%run_scoped3A_19 : memref<!tpu.dma_semaphore, #tpu.memory_space<semaphore_mem>>)
        %dma_wait3A = arith.constant 0 : i32
        %dma_wait3A_25 = tpu.memref_slice %arg2[%run_scoped3A, %add3A_11, %dma_wait3A] : memref<4x8192x1024xf32, #tpu.memory_space<hbm>> -> memref<1x32x1024xf32, #tpu.memory_space<hbm>>
        %dma_wait3A_26 = tpu.memref_squeeze %dma_wait3A_25 : memref<1x32x1024xf32, #tpu.memory_space<hbm>> -> memref<32x1024xf32, #tpu.memory_space<hbm>>
        %dma_wait3A_27 = arith.constant 0 : i32
        %dma_wait3A_28 = tpu.memref_slice %arg2[%run_scoped3A, %add3A_11, %dma_wait3A_27] : memref<4x8192x1024xf32, #tpu.memory_space<hbm>> -> memref<1x32x1024xf32, #tpu.memory_space<hbm>>
        %dma_wait3A_29 = tpu.memref_squeeze %dma_wait3A_28 : memref<1x32x1024xf32, #tpu.memory_space<hbm>> -> memref<32x1024xf32, #tpu.memory_space<hbm>>
        tpu.wait_dma2 semaphore(%run_scoped3A_19 : memref<!tpu.dma_semaphore, #tpu.memory_space<semaphore_mem>>) src(%dma_wait3A_29 : memref<32x1024xf32, #tpu.memory_space<hbm>>) dst(%arg6 : memref<32x1024xf32, #tpu.memory_space<vmem>>)
        tpu.yield
      }) : () -> ()
      %scan3A_12 = arith.constant 0 : i32
      %scan3A_13 = arith.constant 0 : i32
      %scan3A_14 = arith.constant 32 : i32
      %scan3A_15 = arith.addi %scan3A_13, %scan3A_14 : i32
      %scan3A_16 = arith.constant 1 : i32
      scf.for %scan3A_19 = %scan3A_13 to %scan3A_15 step %scan3A_16  : i32 {
        %get3A = arith.index_cast %scan3A_19 : i32 to index
        %get3A_20 = arith.constant 0 : index
        %get3A_21 = tpu.vector_load %arg6[%get3A, %get3A_20] {strides = array<i32>} : memref<32x1024xf32, #tpu.memory_space<vmem>>, vector<1x16xf32>,
        %get3A_22 = vector.shape_cast %get3A_21 : vector<1x16xf32> to vector<16xf32>
        %get3A_23 = arith.index_cast %scan3A_19 : i32 to index
        %get3A_24 = arith.constant 0 : index
        %get3A_25 = tpu.vector_load %arg5[%get3A_23, %get3A_24] {strides = array<i32>} : memref<32x1024xf32, #tpu.memory_space<vmem>>, vector<1x16xf32>,
        %get3A_26 = vector.shape_cast %get3A_25 : vector<1x16xf32> to vector<16xf32>
        %add3A_27 = arith.addf %get3A_22, %get3A_26 : vector<16xf32>
        %swap3A = arith.index_cast %scan3A_19 : i32 to index
        %swap3A_28 = arith.constant 0 : index
        %swap3A_29 = tpu.vector_load %arg6[%swap3A, %swap3A_28] {strides = array<i32>} : memref<32x1024xf32, #tpu.memory_space<vmem>>, vector<1x16xf32>,
        %swap3A_30 = vector.shape_cast %swap3A_29 : vector<1x16xf32> to vector<16xf32>
        %swap3A_31 = vector.shape_cast %add3A_27 : vector<16xf32> to vector<1x16xf32>
        tpu.vector_store %arg6[%swap3A, %swap3A_28], %swap3A_31 {strides = array<i32>} : memref<32x1024xf32, #tpu.memory_space<vmem>>, vector<1x16xf32>,
        %get3A_32 = arith.index_cast %scan3A_19 : i32 to index
        %get3A_33 = arith.constant 16 : index
        %get3A_34 = tpu.vector_load %arg6[%get3A_32, %get3A_33] {strides = array<i32>} : memref<32x1024xf32, #tpu.memory_space<vmem>>, vector<1x16xf32>,
        %get3A_35 = vector.shape_cast %get3A_34 : vector<1x16xf32> to vector<16xf32>
        %get3A_36 = arith.index_cast %scan3A_19 : i32 to index
        %get3A_37 = arith.constant 16 : index
        %get3A_38 = tpu.vector_load %arg5[%get3A_36, %get3A_37] {strides = array<i32>} : memref<32x1024xf32, #tpu.memory_space<vmem>>, vector<1x16xf32>,
        %get3A_39 = vector.shape_cast %get3A_38 : vector<1x16xf32> to vector<16xf32>
        %add3A_40 = arith.addf %get3A_35, %get3A_39 : vector<16xf32>
        %swap3A_41 = arith.index_cast %scan3A_19 : i32 to index
        %swap3A_42 = arith.constant 16 : index
        %swap3A_43 = tpu.vector_load %arg6[%swap3A_41, %swap3A_42] {strides = array<i32>} : memref<32x1024xf32, #tpu.memory_space<vmem>>, vector<1x16xf32>,
        %swap3A_44 = vector.shape_cast %swap3A_43 : vector<1x16xf32> to vector<16xf32>
        %swap3A_45 = vector.shape_cast %add3A_40 : vector<16xf32> to vector<1x16xf32>
        tpu.vector_store %arg6[%swap3A_41, %swap3A_42], %swap3A_45 {strides = array<i32>} : memref<32x1024xf32, #tpu.memory_space<vmem>>, vector<1x16xf32>,
        %get3A_46 = arith.index_cast %scan3A_19 : i32 to index
        %get3A_47 = arith.constant 32 : index
        %get3A_48 = tpu.vector_load %arg6[%get3A_46, %get3A_47] {strides = array<i32>} : memref<32x1024xf32, #tpu.memory_space<vmem>>, vector<1x16xf32>,
        %get3A_49 = vector.shape_cast %get3A_48 : vector<1x16xf32> to vector<16xf32>
        %get3A_50 = arith.index_cast %scan3A_19 : i32 to index
        %get3A_51 = arith.constant 32 : index
        %get3A_52 = tpu.vector_load %arg5[%get3A_50, %get3A_51] {strides = array<i32>} : memref<32x1024xf32, #tpu.memory_space<vmem>>, vector<1x16xf32>,
        %get3A_53 = vector.shape_cast %get3A_52 : vector<1x16xf32> to vector<16xf32>
        %add3A_54 = arith.addf %get3A_49, %get3A_53 : vector<16xf32>
        %swap3A_55 = arith.index_cast %scan3A_19 : i32 to index
        %swap3A_56 = arith.constant 32 : index
        %swap3A_57 = tpu.vector_load %arg6[%swap3A_55, %swap3A_56] {strides = array<i32>} : memref<32x1024xf32, #tpu.memory_space<vmem>>, vector<1x16xf32>,
        %swap3A_58 = vector.shape_cast %swap3A_57 : vector<1x16xf32> to vector<16xf32>
        %swap3A_59 = vector.shape_cast %add3A_54 : vector<16xf32> to vector<1x16xf32>
        tpu.vector_store %arg6[%swap3A_55, %swap3A_56], %swap3A_59 {strides = array<i32>} : memref<32x1024xf32, #tpu.memory_space<vmem>>, vector<1x16xf32>,
        %get3A_60 = arith.index_cast %scan3A_19 : i32 to index
        %get3A_61 = arith.constant 48 : index
        %get3A_62 = tpu.vector_load %arg6[%get3A_60, %get3A_61] {strides = array<i32>} : memref<32x1024xf32, #tpu.memory_space<vmem>>, vector<1x16xf32>,
        %get3A_63 = vector.shape_cast %get3A_62 : vector<1x16xf32> to vector<16xf32>
        %get3A_64 = arith.index_cast %scan3A_19 : i32 to index
        %get3A_65 = arith.constant 48 : index
        %get3A_66 = tpu.vector_load %arg5[%get3A_64, %get3A_65] {strides = array<i32>} : memref<32x1024xf32, #tpu.memory_space<vmem>>, vector<1x16xf32>,
        %get3A_67 = vector.shape_cast %get3A_66 : vector<1x16xf32> to vector<16xf32>
        %add3A_68 = arith.addf %get3A_63, %get3A_67 : vector<16xf32>
        %swap3A_69 = arith.index_cast %scan3A_19 : i32 to index
        %swap3A_70 = arith.constant 48 : index
        %swap3A_71 = tpu.vector_load %arg6[%swap3A_69, %swap3A_70] {strides = array<i32>} : memref<32x1024xf32, #tpu.memory_space<vmem>>, vector<1x16xf32>,
        %swap3A_72 = vector.shape_cast %swap3A_71 : vector<1x16xf32> to vector<16xf32>
        %swap3A_73 = vector.shape_cast %add3A_68 : vector<16xf32> to vector<1x16xf32>
        tpu.vector_store %arg6[%swap3A_69, %swap3A_70], %swap3A_73 {strides = array<i32>} : memref<32x1024xf32, #tpu.memory_space<vmem>>, vector<1x16xf32>,
        %get3A_74 = arith.index_cast %scan3A_19 : i32 to index
        %get3A_75 = arith.constant 64 : index
        %get3A_76 = tpu.vector_load %arg6[%get3A_74, %get3A_75] {strides = array<i32>} : memref<32x1024xf32, #tpu.memory_space<vmem>>, vector<1x16xf32>,
        %get3A_77 = vector.shape_cast %get3A_76 : vector<1x16xf32> to vector<16xf32>
        %get3A_78 = arith.index_cast %scan3A_19 : i32 to index
        %get3A_79 = arith.constant 64 : index
        %get3A_80 = tpu.vector_load %arg5[%get3A_78, %get3A_79] {strides = array<i32>} : memref<32x1024xf32, #tpu.memory_space<vmem>>, vector<1x16xf32>,
        %get3A_81 = vector.shape_cast %get3A_80 : vector<1x16xf32> to vector<16xf32>
        %add3A_82 = arith.addf %get3A_77, %get3A_81 : vector<16xf32>
        %swap3A_83 = arith.index_cast %scan3A_19 : i32 to index
        %swap3A_84 = arith.constant 64 : index
        %swap3A_85 = tpu.vector_load %arg6[%swap3A_83, %swap3A_84] {strides = array<i32>} : memref<32x1024xf32, #tpu.memory_space<vmem>>, vector<1x16xf32>,
        %swap3A_86 = vector.shape_cast %swap3A_85 : vector<1x16xf32> to vector<16xf32>
        %swap3A_87 = vector.shape_cast %add3A_82 : vector<16xf32> to vector<1x16xf32>
        tpu.vector_store %arg6[%swap3A_83, %swap3A_84], %swap3A_87 {strides = array<i32>} : memref<32x1024xf32, #tpu.memory_space<vmem>>, vector<1x16xf32>,
        %get3A_88 = arith.index_cast %scan3A_19 : i32 to index
        %get3A_89 = arith.constant 80 : index
        %get3A_90 = tpu.vector_load %arg6[%get3A_88, %get3A_89] {strides = array<i32>} : memref<32x1024xf32, #tpu.memory_space<vmem>>, vector<1x16xf32>,
        %get3A_91 = vector.shape_cast %get3A_90 : vector<1x16xf32> to vector<16xf32>
        %get3A_92 = arith.index_cast %scan3A_19 : i32 to index
        %get3A_93 = arith.constant 80 : index
        %get3A_94 = tpu.vector_load %arg5[%get3A_92, %get3A_93] {strides = array<i32>} : memref<32x1024xf32, #tpu.memory_space<vmem>>, vector<1x16xf32>,
        %get3A_95 = vector.shape_cast %get3A_94 : vector<1x16xf32> to vector<16xf32>
        %add3A_96 = arith.addf %get3A_91, %get3A_95 : vector<16xf32>
        %swap3A_97 = arith.index_cast %scan3A_19 : i32 to index
        %swap3A_98 = arith.constant 80 : index
        %swap3A_99 = tpu.vector_load %arg6[%swap3A_97, %swap3A_98] {strides = array<i32>} : memref<32x1024xf32, #tpu.memory_space<vmem>>, vector<1x16xf32>,
        %swap3A_100 = vector.shape_cast %swap3A_99 : vector<1x16xf32> to vector<16xf32>
        %swap3A_101 = vector.shape_cast %add3A_96 : vector<16xf32> to vector<1x16xf32>
        tpu.vector_store %arg6[%swap3A_97, %swap3A_98], %swap3A_101 {strides = array<i32>} : memref<32x1024xf32, #tpu.memory_space<vmem>>, vector<1x16xf32>,
        %get3A_102 = arith.index_cast %scan3A_19 : i32 to index
        %get3A_103 = arith.constant 96 : index
        %get3A_104 = tpu.vector_load %arg6[%get3A_102, %get3A_103] {strides = array<i32>} : memref<32x1024xf32, #tpu.memory_space<vmem>>, vector<1x16xf32>,
        %get3A_105 = vector.shape_cast %get3A_104 : vector<1x16xf32> to vector<16xf32>
        %get3A_106 = arith.index_cast %scan3A_19 : i32 to index
        %get3A_107 = arith.constant 96 : index
        %get3A_108 = tpu.vector_load %arg5[%get3A_106, %get3A_107] {strides = array<i32>} : memref<32x1024xf32, #tpu.memory_space<vmem>>, vector<1x16xf32>,
        %get3A_109 = vector.shape_cast %get3A_108 : vector<1x16xf32> to vector<16xf32>
        %add3A_110 = arith.addf %get3A_105, %get3A_109 : vector<16xf32>
        %swap3A_111 = arith.index_cast %scan3A_19 : i32 to index
        %swap3A_112 = arith.constant 96 : index
        %swap3A_113 = tpu.vector_load %arg6[%swap3A_111, %swap3A_112] {strides = array<i32>} : memref<32x1024xf32, #tpu.memory_space<vmem>>, vector<1x16xf32>,
        %swap3A_114 = vector.shape_cast %swap3A_113 : vector<1x16xf32> to vector<16xf32>
        %swap3A_115 = vector.shape_cast %add3A_110 : vector<16xf32> to vector<1x16xf32>
        tpu.vector_store %arg6[%swap3A_111, %swap3A_112], %swap3A_115 {strides = array<i32>} : memref<32x1024xf32, #tpu.memory_space<vmem>>, vector<1x16xf32>,
        %get3A_116 = arith.index_cast %scan3A_19 : i32 to index
        %get3A_117 = arith.constant 112 : index
        %get3A_118 = tpu.vector_load %arg6[%get3A_116, %get3A_117] {strides = array<i32>} : memref<32x1024xf32, #tpu.memory_space<vmem>>, vector<1x16xf32>,
        %get3A_119 = vector.shape_cast %get3A_118 : vector<1x16xf32> to vector<16xf32>
        %get3A_120 = arith.index_cast %scan3A_19 : i32 to index
        %get3A_121 = arith.constant 112 : index
        %get3A_122 = tpu.vector_load %arg5[%get3A_120, %get3A_121] {strides = array<i32>} : memref<32x1024xf32, #tpu.memory_space<vmem>>, vector<1x16xf32>,
        %get3A_123 = vector.shape_cast %get3A_122 : vector<1x16xf32> to vector<16xf32>
        %add3A_124 = arith.addf %get3A_119, %get3A_123 : vector<16xf32>
        %swap3A_125 = arith.index_cast %scan3A_19 : i32 to index
        %swap3A_126 = arith.constant 112 : index
        %swap3A_127 = tpu.vector_load %arg6[%swap3A_125, %swap3A_126] {strides = array<i32>} : memref<32x1024xf32, #tpu.memory_space<vmem>>, vector<1x16xf32>,
        %swap3A_128 = vector.shape_cast %swap3A_127 : vector<1x16xf32> to vector<16xf32>
        %swap3A_129 = vector.shape_cast %add3A_124 : vector<16xf32> to vector<1x16xf32>
        tpu.vector_store %arg6[%swap3A_125, %swap3A_126], %swap3A_129 {strides = array<i32>} : memref<32x1024xf32, #tpu.memory_space<vmem>>, vector<1x16xf32>,
        %get3A_130 = arith.index_cast %scan3A_19 : i32 to index
        %get3A_131 = arith.constant 128 : index
        %get3A_132 = tpu.vector_load %arg6[%get3A_130, %get3A_131] {strides = array<i32>} : memref<32x1024xf32, #tpu.memory_space<vmem>>, vector<1x16xf32>,
        %get3A_133 = vector.shape_cast %get3A_132 : vector<1x16xf32> to vector<16xf32>
        %get3A_134 = arith.index_cast %scan3A_19 : i32 to index
        %get3A_135 = arith.constant 128 : index
        %get3A_136 = tpu.vector_load %arg5[%get3A_134, %get3A_135] {strides = array<i32>} : memref<32x1024xf32, #tpu.memory_space<vmem>>, vector<1x16xf32>,
        %get3A_137 = vector.shape_cast %get3A_136 : vector<1x16xf32> to vector<16xf32>
        %add3A_138 = arith.addf %get3A_133, %get3A_137 : vector<16xf32>
        %swap3A_139 = arith.index_cast %scan3A_19 : i32 to index
        %swap3A_140 = arith.constant 128 : index
        %swap3A_141 = tpu.vector_load %arg6[%swap3A_139, %swap3A_140] {strides = array<i32>} : memref<32x1024xf32, #tpu.memory_space<vmem>>, vector<1x16xf32>,
        %swap3A_142 = vector.shape_cast %swap3A_141 : vector<1x16xf32> to vector<16xf32>
        %swap3A_143 = vector.shape_cast %add3A_138 : vector<16xf32> to vector<1x16xf32>
        tpu.vector_store %arg6[%swap3A_139, %swap3A_140], %swap3A_143 {strides = array<i32>} : memref<32x1024xf32, #tpu.memory_space<vmem>>, vector<1x16xf32>,
        %get3A_144 = arith.index_cast %scan3A_19 : i32 to index
        %get3A_145 = arith.constant 144 : index
        %get3A_146 = tpu.vector_load %arg6[%get3A_144, %get3A_145] {strides = array<i32>} : memref<32x1024xf32, #tpu.memory_space<vmem>>, vector<1x16xf32>,
        %get3A_147 = vector.shape_cast %get3A_146 : vector<1x16xf32> to vector<16xf32>
        %get3A_148 = arith.index_cast %scan3A_19 : i32 to index
        %get3A_149 = arith.constant 144 : index
        %get3A_150 = tpu.vector_load %arg5[%get3A_148, %get3A_149] {strides = array<i32>} : memref<32x1024xf32, #tpu.memory_space<vmem>>, vector<1x16xf32>,
        %get3A_151 = vector.shape_cast %get3A_150 : vector<1x16xf32> to vector<16xf32>
        %add3A_152 = arith.addf %get3A_147, %get3A_151 : vector<16xf32>
        %swap3A_153 = arith.index_cast %scan3A_19 : i32 to index
        %swap3A_154 = arith.constant 144 : index
        %swap3A_155 = tpu.vector_load %arg6[%swap3A_153, %swap3A_154] {strides = array<i32>} : memref<32x1024xf32, #tpu.memory_space<vmem>>, vector<1x16xf32>,
        %swap3A_156 = vector.shape_cast %swap3A_155 : vector<1x16xf32> to vector<16xf32>
        %swap3A_157 = vector.shape_cast %add3A_152 : vector<16xf32> to vector<1x16xf32>
        tpu.vector_store %arg6[%swap3A_153, %swap3A_154], %swap3A_157 {strides = array<i32>} : memref<32x1024xf32, #tpu.memory_space<vmem>>, vector<1x16xf32>,
        %get3A_158 = arith.index_cast %scan3A_19 : i32 to index
        %get3A_159 = arith.constant 160 : index
        %get3A_160 = tpu.vector_load %arg6[%get3A_158, %get3A_159] {strides = array<i32>} : memref<32x1024xf32, #tpu.memory_space<vmem>>, vector<1x16xf32>,
        %get3A_161 = vector.shape_cast %get3A_160 : vector<1x16xf32> to vector<16xf32>
        %get3A_162 = arith.index_cast %scan3A_19 : i32 to index
        %get3A_163 = arith.constant 160 : index
        %get3A_164 = tpu.vector_load %arg5[%get3A_162, %get3A_163] {strides = array<i32>} : memref<32x1024xf32, #tpu.memory_space<vmem>>, vector<1x16xf32>,
        %get3A_165 = vector.shape_cast %get3A_164 : vector<1x16xf32> to vector<16xf32>
        %add3A_166 = arith.addf %get3A_161, %get3A_165 : vector<16xf32>
        %swap3A_167 = arith.index_cast %scan3A_19 : i32 to index
        %swap3A_168 = arith.constant 160 : index
        %swap3A_169 = tpu.vector_load %arg6[%swap3A_167, %swap3A_168] {strides = array<i32>} : memref<32x1024xf32, #tpu.memory_space<vmem>>, vector<1x16xf32>,
        %swap3A_170 = vector.shape_cast %swap3A_169 : vector<1x16xf32> to vector<16xf32>
        %swap3A_171 = vector.shape_cast %add3A_166 : vector<16xf32> to vector<1x16xf32>
        tpu.vector_store %arg6[%swap3A_167, %swap3A_168], %swap3A_171 {strides = array<i32>} : memref<32x1024xf32, #tpu.memory_space<vmem>>, vector<1x16xf32>,
        %get3A_172 = arith.index_cast %scan3A_19 : i32 to index
        %get3A_173 = arith.constant 176 : index
        %get3A_174 = tpu.vector_load %arg6[%get3A_172, %get3A_173] {strides = array<i32>} : memref<32x1024xf32, #tpu.memory_space<vmem>>, vector<1x16xf32>,
        %get3A_175 = vector.shape_cast %get3A_174 : vector<1x16xf32> to vector<16xf32>
        %get3A_176 = arith.index_cast %scan3A_19 : i32 to index
        %get3A_177 = arith.constant 176 : index
        %get3A_178 = tpu.vector_load %arg5[%get3A_176, %get3A_177] {strides = array<i32>} : memref<32x1024xf32, #tpu.memory_space<vmem>>, vector<1x16xf32>,
        %get3A_179 = vector.shape_cast %get3A_178 : vector<1x16xf32> to vector<16xf32>
        %add3A_180 = arith.addf %get3A_175, %get3A_179 : vector<16xf32>
        %swap3A_181 = arith.index_cast %scan3A_19 : i32 to index
        %swap3A_182 = arith.constant 176 : index
        %swap3A_183 = tpu.vector_load %arg6[%swap3A_181, %swap3A_182] {strides = array<i32>} : memref<32x1024xf32, #tpu.memory_space<vmem>>, vector<1x16xf32>,
        %swap3A_184 = vector.shape_cast %swap3A_183 : vector<1x16xf32> to vector<16xf32>
        %swap3A_185 = vector.shape_cast %add3A_180 : vector<16xf32> to vector<1x16xf32>
        tpu.vector_store %arg6[%swap3A_181, %swap3A_182], %swap3A_185 {strides = array<i32>} : memref<32x1024xf32, #tpu.memory_space<vmem>>, vector<1x16xf32>,
        %get3A_186 = arith.index_cast %scan3A_19 : i32 to index
        %get3A_187 = arith.constant 192 : index
        %get3A_188 = tpu.vector_load %arg6[%get3A_186, %get3A_187] {strides = array<i32>} : memref<32x1024xf32, #tpu.memory_space<vmem>>, vector<1x16xf32>,
        %get3A_189 = vector.shape_cast %get3A_188 : vector<1x16xf32> to vector<16xf32>
        %get3A_190 = arith.index_cast %scan3A_19 : i32 to index
        %get3A_191 = arith.constant 192 : index
        %get3A_192 = tpu.vector_load %arg5[%get3A_190, %get3A_191] {strides = array<i32>} : memref<32x1024xf32, #tpu.memory_space<vmem>>, vector<1x16xf32>,
        %get3A_193 = vector.shape_cast %get3A_192 : vector<1x16xf32> to vector<16xf32>
        %add3A_194 = arith.addf %get3A_189, %get3A_193 : vector<16xf32>
        %swap3A_195 = arith.index_cast %scan3A_19 : i32 to index
        %swap3A_196 = arith.constant 192 : index
        %swap3A_197 = tpu.vector_load %arg6[%swap3A_195, %swap3A_196] {strides = array<i32>} : memref<32x1024xf32, #tpu.memory_space<vmem>>, vector<1x16xf32>,
        %swap3A_198 = vector.shape_cast %swap3A_197 : vector<1x16xf32> to vector<16xf32>
        %swap3A_199 = vector.shape_cast %add3A_194 : vector<16xf32> to vector<1x16xf32>
        tpu.vector_store %arg6[%swap3A_195, %swap3A_196], %swap3A_199 {strides = array<i32>} : memref<32x1024xf32, #tpu.memory_space<vmem>>, vector<1x16xf32>,
        %get3A_200 = arith.index_cast %scan3A_19 : i32 to index
        %get3A_201 = arith.constant 208 : index
        %get3A_202 = tpu.vector_load %arg6[%get3A_200, %get3A_201] {strides = array<i32>} : memref<32x1024xf32, #tpu.memory_space<vmem>>, vector<1x16xf32>,
        %get3A_203 = vector.shape_cast %get3A_202 : vector<1x16xf32> to vector<16xf32>
        %get3A_204 = arith.index_cast %scan3A_19 : i32 to index
        %get3A_205 = arith.constant 208 : index
        %get3A_206 = tpu.vector_load %arg5[%get3A_204, %get3A_205] {strides = array<i32>} : memref<32x1024xf32, #tpu.memory_space<vmem>>, vector<1x16xf32>,
        %get3A_207 = vector.shape_cast %get3A_206 : vector<1x16xf32> to vector<16xf32>
        %add3A_208 = arith.addf %get3A_203, %get3A_207 : vector<16xf32>
        %swap3A_209 = arith.index_cast %scan3A_19 : i32 to index
        %swap3A_210 = arith.constant 208 : index
        %swap3A_211 = tpu.vector_load %arg6[%swap3A_209, %swap3A_210] {strides = array<i32>} : memref<32x1024xf32, #tpu.memory_space<vmem>>, vector<1x16xf32>,
        %swap3A_212 = vector.shape_cast %swap3A_211 : vector<1x16xf32> to vector<16xf32>
        %swap3A_213 = vector.shape_cast %add3A_208 : vector<16xf32> to vector<1x16xf32>
        tpu.vector_store %arg6[%swap3A_209, %swap3A_210], %swap3A_213 {strides = array<i32>} : memref<32x1024xf32, #tpu.memory_space<vmem>>, vector<1x16xf32>,
        %get3A_214 = arith.index_cast %scan3A_19 : i32 to index
        %get3A_215 = arith.constant 224 : index
        %get3A_216 = tpu.vector_load %arg6[%get3A_214, %get3A_215] {strides = array<i32>} : memref<32x1024xf32, #tpu.memory_space<vmem>>, vector<1x16xf32>,
        %get3A_217 = vector.shape_cast %get3A_216 : vector<1x16xf32> to vector<16xf32>
        %get3A_218 = arith.index_cast %scan3A_19 : i32 to index
        %get3A_219 = arith.constant 224 : index
        %get3A_220 = tpu.vector_load %arg5[%get3A_218, %get3A_219] {strides = array<i32>} : memref<32x1024xf32, #tpu.memory_space<vmem>>, vector<1x16xf32>,
        %get3A_221 = vector.shape_cast %get3A_220 : vector<1x16xf32> to vector<16xf32>
        %add3A_222 = arith.addf %get3A_217, %get3A_221 : vector<16xf32>
        %swap3A_223 = arith.index_cast %scan3A_19 : i32 to index
        %swap3A_224 = arith.constant 224 : index
        %swap3A_225 = tpu.vector_load %arg6[%swap3A_223, %swap3A_224] {strides = array<i32>} : memref<32x1024xf32, #tpu.memory_space<vmem>>, vector<1x16xf32>,
        %swap3A_226 = vector.shape_cast %swap3A_225 : vector<1x16xf32> to vector<16xf32>
        %swap3A_227 = vector.shape_cast %add3A_222 : vector<16xf32> to vector<1x16xf32>
        tpu.vector_store %arg6[%swap3A_223, %swap3A_224], %swap3A_227 {strides = array<i32>} : memref<32x1024xf32, #tpu.memory_space<vmem>>, vector<1x16xf32>,
        %get3A_228 = arith.index_cast %scan3A_19 : i32 to index
        %get3A_229 = arith.constant 240 : index
        %get3A_230 = tpu.vector_load %arg6[%get3A_228, %get3A_229] {strides = array<i32>} : memref<32x1024xf32, #tpu.memory_space<vmem>>, vector<1x16xf32>,
        %get3A_231 = vector.shape_cast %get3A_230 : vector<1x16xf32> to vector<16xf32>
        %get3A_232 = arith.index_cast %scan3A_19 : i32 to index
        %get3A_233 = arith.constant 240 : index
        %get3A_234 = tpu.vector_load %arg5[%get3A_232, %get3A_233] {strides = array<i32>} : memref<32x1024xf32, #tpu.memory_space<vmem>>, vector<1x16xf32>,
        %get3A_235 = vector.shape_cast %get3A_234 : vector<1x16xf32> to vector<16xf32>
        %add3A_236 = arith.addf %get3A_231, %get3A_235 : vector<16xf32>
        %swap3A_237 = arith.index_cast %scan3A_19 : i32 to index
        %swap3A_238 = arith.constant 240 : index
        %swap3A_239 = tpu.vector_load %arg6[%swap3A_237, %swap3A_238] {strides = array<i32>} : memref<32x1024xf32, #tpu.memory_space<vmem>>, vector<1x16xf32>,
        %swap3A_240 = vector.shape_cast %swap3A_239 : vector<1x16xf32> to vector<16xf32>
        %swap3A_241 = vector.shape_cast %add3A_236 : vector<16xf32> to vector<1x16xf32>
        tpu.vector_store %arg6[%swap3A_237, %swap3A_238], %swap3A_241 {strides = array<i32>} : memref<32x1024xf32, #tpu.memory_space<vmem>>, vector<1x16xf32>,
        %get3A_242 = arith.index_cast %scan3A_19 : i32 to index
        %get3A_243 = arith.constant 256 : index
        %get3A_244 = tpu.vector_load %arg6[%get3A_242, %get3A_243] {strides = array<i32>} : memref<32x1024xf32, #tpu.memory_space<vmem>>, vector<1x16xf32>,
        %get3A_245 = vector.shape_cast %get3A_244 : vector<1x16xf32> to vector<16xf32>
        %get3A_246 = arith.index_cast %scan3A_19 : i32 to index
        %get3A_247 = arith.constant 256 : index
        %get3A_248 = tpu.vector_load %arg5[%get3A_246, %get3A_247] {strides = array<i32>} : memref<32x1024xf32, #tpu.memory_space<vmem>>, vector<1x16xf32>,
        %get3A_249 = vector.shape_cast %get3A_248 : vector<1x16xf32> to vector<16xf32>
        %add3A_250 = arith.addf %get3A_245, %get3A_249 : vector<16xf32>
        %swap3A_251 = arith.index_cast %scan3A_19 : i32 to index
        %swap3A_252 = arith.constant 256 : index
        %swap3A_253 = tpu.vector_load %arg6[%swap3A_251, %swap3A_252] {strides = array<i32>} : memref<32x1024xf32, #tpu.memory_space<vmem>>, vector<1x16xf32>,
        %swap3A_254 = vector.shape_cast %swap3A_253 : vector<1x16xf32> to vector<16xf32>
        %swap3A_255 = vector.shape_cast %add3A_250 : vector<16xf32> to vector<1x16xf32>
        tpu.vector_store %arg6[%swap3A_251, %swap3A_252], %swap3A_255 {strides = array<i32>} : memref<32x1024xf32, #tpu.memory_space<vmem>>, vector<1x16xf32>,
        %get3A_256 = arith.index_cast %scan3A_19 : i32 to index
        %get3A_257 = arith.constant 272 : index
        %get3A_258 = tpu.vector_load %arg6[%get3A_256, %get3A_257] {strides = array<i32>} : memref<32x1024xf32, #tpu.memory_space<vmem>>, vector<1x16xf32>,
        %get3A_259 = vector.shape_cast %get3A_258 : vector<1x16xf32> to vector<16xf32>
        %get3A_260 = arith.index_cast %scan3A_19 : i32 to index
        %get3A_261 = arith.constant 272 : index
        %get3A_262 = tpu.vector_load %arg5[%get3A_260, %get3A_261] {strides = array<i32>} : memref<32x1024xf32, #tpu.memory_space<vmem>>, vector<1x16xf32>,
        %get3A_263 = vector.shape_cast %get3A_262 : vector<1x16xf32> to vector<16xf32>
        %add3A_264 = arith.addf %get3A_259, %get3A_263 : vector<16xf32>
        %swap3A_265 = arith.index_cast %scan3A_19 : i32 to index
        %swap3A_266 = arith.constant 272 : index
        %swap3A_267 = tpu.vector_load %arg6[%swap3A_265, %swap3A_266] {strides = array<i32>} : memref<32x1024xf32, #tpu.memory_space<vmem>>, vector<1x16xf32>,
        %swap3A_268 = vector.shape_cast %swap3A_267 : vector<1x16xf32> to vector<16xf32>
        %swap3A_269 = vector.shape_cast %add3A_264 : vector<16xf32> to vector<1x16xf32>
        tpu.vector_store %arg6[%swap3A_265, %swap3A_266], %swap3A_269 {strides = array<i32>} : memref<32x1024xf32, #tpu.memory_space<vmem>>, vector<1x16xf32>,
        %get3A_270 = arith.index_cast %scan3A_19 : i32 to index
        %get3A_271 = arith.constant 288 : index
        %get3A_272 = tpu.vector_load %arg6[%get3A_270, %get3A_271] {strides = array<i32>} : memref<32x1024xf32, #tpu.memory_space<vmem>>, vector<1x16xf32>,
        %get3A_273 = vector.shape_cast %get3A_272 : vector<1x16xf32> to vector<16xf32>
        %get3A_274 = arith.index_cast %scan3A_19 : i32 to index
        %get3A_275 = arith.constant 288 : index
        %get3A_276 = tpu.vector_load %arg5[%get3A_274, %get3A_275] {strides = array<i32>} : memref<32x1024xf32, #tpu.memory_space<vmem>>, vector<1x16xf32>,
        %get3A_277 = vector.shape_cast %get3A_276 : vector<1x16xf32> to vector<16xf32>
        %add3A_278 = arith.addf %get3A_273, %get3A_277 : vector<16xf32>
        %swap3A_279 = arith.index_cast %scan3A_19 : i32 to index
        %swap3A_280 = arith.constant 288 : index
        %swap3A_281 = tpu.vector_load %arg6[%swap3A_279, %swap3A_280] {strides = array<i32>} : memref<32x1024xf32, #tpu.memory_space<vmem>>, vector<1x16xf32>,
        %swap3A_282 = vector.shape_cast %swap3A_281 : vector<1x16xf32> to vector<16xf32>
        %swap3A_283 = vector.shape_cast %add3A_278 : vector<16xf32> to vector<1x16xf32>
        tpu.vector_store %arg6[%swap3A_279, %swap3A_280], %swap3A_283 {strides = array<i32>} : memref<32x1024xf32, #tpu.memory_space<vmem>>, vector<1x16xf32>,
        %get3A_284 = arith.index_cast %scan3A_19 : i32 to index
        %get3A_285 = arith.constant 304 : index
        %get3A_286 = tpu.vector_load %arg6[%get3A_284, %get3A_285] {strides = array<i32>} : memref<32x1024xf32, #tpu.memory_space<vmem>>, vector<1x16xf32>,
        %get3A_287 = vector.shape_cast %get3A_286 : vector<1x16xf32> to vector<16xf32>
        %get3A_288 = arith.index_cast %scan3A_19 : i32 to index
        %get3A_289 = arith.constant 304 : index
        %get3A_290 = tpu.vector_load %arg5[%get3A_288, %get3A_289] {strides = array<i32>} : memref<32x1024xf32, #tpu.memory_space<vmem>>, vector<1x16xf32>,
        %get3A_291 = vector.shape_cast %get3A_290 : vector<1x16xf32> to vector<16xf32>
        %add3A_292 = arith.addf %get3A_287, %get3A_291 : vector<16xf32>
        %swap3A_293 = arith.index_cast %scan3A_19 : i32 to index
        %swap3A_294 = arith.constant 304 : index
        %swap3A_295 = tpu.vector_load %arg6[%swap3A_293, %swap3A_294] {strides = array<i32>} : memref<32x1024xf32, #tpu.memory_space<vmem>>, vector<1x16xf32>,
        %swap3A_296 = vector.shape_cast %swap3A_295 : vector<1x16xf32> to vector<16xf32>
        %swap3A_297 = vector.shape_cast %add3A_292 : vector<16xf32> to vector<1x16xf32>
        tpu.vector_store %arg6[%swap3A_293, %swap3A_294], %swap3A_297 {strides = array<i32>} : memref<32x1024xf32, #tpu.memory_space<vmem>>, vector<1x16xf32>,
        %get3A_298 = arith.index_cast %scan3A_19 : i32 to index
        %get3A_299 = arith.constant 320 : index
        %get3A_300 = tpu.vector_load %arg6[%get3A_298, %get3A_299] {strides = array<i32>} : memref<32x1024xf32, #tpu.memory_space<vmem>>, vector<1x16xf32>,
        %get3A_301 = vector.shape_cast %get3A_300 : vector<1x16xf32> to vector<16xf32>
        %get3A_302 = arith.index_cast %scan3A_19 : i32 to index
        %get3A_303 = arith.constant 320 : index
        %get3A_304 = tpu.vector_load %arg5[%get3A_302, %get3A_303] {strides = array<i32>} : memref<32x1024xf32, #tpu.memory_space<vmem>>, vector<1x16xf32>,
        %get3A_305 = vector.shape_cast %get3A_304 : vector<1x16xf32> to vector<16xf32>
        %add3A_306 = arith.addf %get3A_301, %get3A_305 : vector<16xf32>
        %swap3A_307 = arith.index_cast %scan3A_19 : i32 to index
        %swap3A_308 = arith.constant 320 : index
        %swap3A_309 = tpu.vector_load %arg6[%swap3A_307, %swap3A_308] {strides = array<i32>} : memref<32x1024xf32, #tpu.memory_space<vmem>>, vector<1x16xf32>,
        %swap3A_310 = vector.shape_cast %swap3A_309 : vector<1x16xf32> to vector<16xf32>
        %swap3A_311 = vector.shape_cast %add3A_306 : vector<16xf32> to vector<1x16xf32>
        tpu.vector_store %arg6[%swap3A_307, %swap3A_308], %swap3A_311 {strides = array<i32>} : memref<32x1024xf32, #tpu.memory_space<vmem>>, vector<1x16xf32>,
        %get3A_312 = arith.index_cast %scan3A_19 : i32 to index
        %get3A_313 = arith.constant 336 : index
        %get3A_314 = tpu.vector_load %arg6[%get3A_312, %get3A_313] {strides = array<i32>} : memref<32x1024xf32, #tpu.memory_space<vmem>>, vector<1x16xf32>,
        %get3A_315 = vector.shape_cast %get3A_314 : vector<1x16xf32> to vector<16xf32>
        %get3A_316 = arith.index_cast %scan3A_19 : i32 to index
        %get3A_317 = arith.constant 336 : index
        %get3A_318 = tpu.vector_load %arg5[%get3A_316, %get3A_317] {strides = array<i32>} : memref<32x1024xf32, #tpu.memory_space<vmem>>, vector<1x16xf32>,
        %get3A_319 = vector.shape_cast %get3A_318 : vector<1x16xf32> to vector<16xf32>
        %add3A_320 = arith.addf %get3A_315, %get3A_319 : vector<16xf32>
        %swap3A_321 = arith.index_cast %scan3A_19 : i32 to index
        %swap3A_322 = arith.constant 336 : index
        %swap3A_323 = tpu.vector_load %arg6[%swap3A_321, %swap3A_322] {strides = array<i32>} : memref<32x1024xf32, #tpu.memory_space<vmem>>, vector<1x16xf32>,
        %swap3A_324 = vector.shape_cast %swap3A_323 : vector<1x16xf32> to vector<16xf32>
        %swap3A_325 = vector.shape_cast %add3A_320 : vector<16xf32> to vector<1x16xf32>
        tpu.vector_store %arg6[%swap3A_321, %swap3A_322], %swap3A_325 {strides = array<i32>} : memref<32x1024xf32, #tpu.memory_space<vmem>>, vector<1x16xf32>,
        %get3A_326 = arith.index_cast %scan3A_19 : i32 to index
        %get3A_327 = arith.constant 352 : index
        %get3A_328 = tpu.vector_load %arg6[%get3A_326, %get3A_327] {strides = array<i32>} : memref<32x1024xf32, #tpu.memory_space<vmem>>, vector<1x16xf32>,
        %get3A_329 = vector.shape_cast %get3A_328 : vector<1x16xf32> to vector<16xf32>
        %get3A_330 = arith.index_cast %scan3A_19 : i32 to index
        %get3A_331 = arith.constant 352 : index
        %get3A_332 = tpu.vector_load %arg5[%get3A_330, %get3A_331] {strides = array<i32>} : memref<32x1024xf32, #tpu.memory_space<vmem>>, vector<1x16xf32>,
        %get3A_333 = vector.shape_cast %get3A_332 : vector<1x16xf32> to vector<16xf32>
        %add3A_334 = arith.addf %get3A_329, %get3A_333 : vector<16xf32>
        %swap3A_335 = arith.index_cast %scan3A_19 : i32 to index
        %swap3A_336 = arith.constant 352 : index
        %swap3A_337 = tpu.vector_load %arg6[%swap3A_335, %swap3A_336] {strides = array<i32>} : memref<32x1024xf32, #tpu.memory_space<vmem>>, vector<1x16xf32>,
        %swap3A_338 = vector.shape_cast %swap3A_337 : vector<1x16xf32> to vector<16xf32>
        %swap3A_339 = vector.shape_cast %add3A_334 : vector<16xf32> to vector<1x16xf32>
        tpu.vector_store %arg6[%swap3A_335, %swap3A_336], %swap3A_339 {strides = array<i32>} : memref<32x1024xf32, #tpu.memory_space<vmem>>, vector<1x16xf32>,
        %get3A_340 = arith.index_cast %scan3A_19 : i32 to index
        %get3A_341 = arith.constant 368 : index
        %get3A_342 = tpu.vector_load %arg6[%get3A_340, %get3A_341] {strides = array<i32>} : memref<32x1024xf32, #tpu.memory_space<vmem>>, vector<1x16xf32>,
        %get3A_343 = vector.shape_cast %get3A_342 : vector<1x16xf32> to vector<16xf32>
        %get3A_344 = arith.index_cast %scan3A_19 : i32 to index
        %get3A_345 = arith.constant 368 : index
        %get3A_346 = tpu.vector_load %arg5[%get3A_344, %get3A_345] {strides = array<i32>} : memref<32x1024xf32, #tpu.memory_space<vmem>>, vector<1x16xf32>,
        %get3A_347 = vector.shape_cast %get3A_346 : vector<1x16xf32> to vector<16xf32>
        %add3A_348 = arith.addf %get3A_343, %get3A_347 : vector<16xf32>
        %swap3A_349 = arith.index_cast %scan3A_19 : i32 to index
        %swap3A_350 = arith.constant 368 : index
        %swap3A_351 = tpu.vector_load %arg6[%swap3A_349, %swap3A_350] {strides = array<i32>} : memref<32x1024xf32, #tpu.memory_space<vmem>>, vector<1x16xf32>,
        %swap3A_352 = vector.shape_cast %swap3A_351 : vector<1x16xf32> to vector<16xf32>
        %swap3A_353 = vector.shape_cast %add3A_348 : vector<16xf32> to vector<1x16xf32>
        tpu.vector_store %arg6[%swap3A_349, %swap3A_350], %swap3A_353 {strides = array<i32>} : memref<32x1024xf32, #tpu.memory_space<vmem>>, vector<1x16xf32>,
        %get3A_354 = arith.index_cast %scan3A_19 : i32 to index
        %get3A_355 = arith.constant 384 : index
        %get3A_356 = tpu.vector_load %arg6[%get3A_354, %get3A_355] {strides = array<i32>} : memref<32x1024xf32, #tpu.memory_space<vmem>>, vector<1x16xf32>,
        %get3A_357 = vector.shape_cast %get3A_356 : vector<1x16xf32> to vector<16xf32>
        %get3A_358 = arith.index_cast %scan3A_19 : i32 to index
        %get3A_359 = arith.constant 384 : index
        %get3A_360 = tpu.vector_load %arg5[%get3A_358, %get3A_359] {strides = array<i32>} : memref<32x1024xf32, #tpu.memory_space<vmem>>, vector<1x16xf32>,
        %get3A_361 = vector.shape_cast %get3A_360 : vector<1x16xf32> to vector<16xf32>
        %add3A_362 = arith.addf %get3A_357, %get3A_361 : vector<16xf32>
        %swap3A_363 = arith.index_cast %scan3A_19 : i32 to index
        %swap3A_364 = arith.constant 384 : index
        %swap3A_365 = tpu.vector_load %arg6[%swap3A_363, %swap3A_364] {strides = array<i32>} : memref<32x1024xf32, #tpu.memory_space<vmem>>, vector<1x16xf32>,
        %swap3A_366 = vector.shape_cast %swap3A_365 : vector<1x16xf32> to vector<16xf32>
        %swap3A_367 = vector.shape_cast %add3A_362 : vector<16xf32> to vector<1x16xf32>
        tpu.vector_store %arg6[%swap3A_363, %swap3A_364], %swap3A_367 {strides = array<i32>} : memref<32x1024xf32, #tpu.memory_space<vmem>>, vector<1x16xf32>,
        %get3A_368 = arith.index_cast %scan3A_19 : i32 to index
        %get3A_369 = arith.constant 400 : index
        %get3A_370 = tpu.vector_load %arg6[%get3A_368, %get3A_369] {strides = array<i32>} : memref<32x1024xf32, #tpu.memory_space<vmem>>, vector<1x16xf32>,
        %get3A_371 = vector.shape_cast %get3A_370 : vector<1x16xf32> to vector<16xf32>
        %get3A_372 = arith.index_cast %scan3A_19 : i32 to index
        %get3A_373 = arith.constant 400 : index
        %get3A_374 = tpu.vector_load %arg5[%get3A_372, %get3A_373] {strides = array<i32>} : memref<32x1024xf32, #tpu.memory_space<vmem>>, vector<1x16xf32>,
        %get3A_375 = vector.shape_cast %get3A_374 : vector<1x16xf32> to vector<16xf32>
        %add3A_376 = arith.addf %get3A_371, %get3A_375 : vector<16xf32>
        %swap3A_377 = arith.index_cast %scan3A_19 : i32 to index
        %swap3A_378 = arith.constant 400 : index
        %swap3A_379 = tpu.vector_load %arg6[%swap3A_377, %swap3A_378] {strides = array<i32>} : memref<32x1024xf32, #tpu.memory_space<vmem>>, vector<1x16xf32>,
        %swap3A_380 = vector.shape_cast %swap3A_379 : vector<1x16xf32> to vector<16xf32>
        %swap3A_381 = vector.shape_cast %add3A_376 : vector<16xf32> to vector<1x16xf32>
        tpu.vector_store %arg6[%swap3A_377, %swap3A_378], %swap3A_381 {strides = array<i32>} : memref<32x1024xf32, #tpu.memory_space<vmem>>, vector<1x16xf32>,
        %get3A_382 = arith.index_cast %scan3A_19 : i32 to index
        %get3A_383 = arith.constant 416 : index
        %get3A_384 = tpu.vector_load %arg6[%get3A_382, %get3A_383] {strides = array<i32>} : memref<32x1024xf32, #tpu.memory_space<vmem>>, vector<1x16xf32>,
        %get3A_385 = vector.shape_cast %get3A_384 : vector<1x16xf32> to vector<16xf32>
        %get3A_386 = arith.index_cast %scan3A_19 : i32 to index
        %get3A_387 = arith.constant 416 : index
        %get3A_388 = tpu.vector_load %arg5[%get3A_386, %get3A_387] {strides = array<i32>} : memref<32x1024xf32, #tpu.memory_space<vmem>>, vector<1x16xf32>,
        %get3A_389 = vector.shape_cast %get3A_388 : vector<1x16xf32> to vector<16xf32>
        %add3A_390 = arith.addf %get3A_385, %get3A_389 : vector<16xf32>
        %swap3A_391 = arith.index_cast %scan3A_19 : i32 to index
        %swap3A_392 = arith.constant 416 : index
        %swap3A_393 = tpu.vector_load %arg6[%swap3A_391, %swap3A_392] {strides = array<i32>} : memref<32x1024xf32, #tpu.memory_space<vmem>>, vector<1x16xf32>,
        %swap3A_394 = vector.shape_cast %swap3A_393 : vector<1x16xf32> to vector<16xf32>
        %swap3A_395 = vector.shape_cast %add3A_390 : vector<16xf32> to vector<1x16xf32>
        tpu.vector_store %arg6[%swap3A_391, %swap3A_392], %swap3A_395 {strides = array<i32>} : memref<32x1024xf32, #tpu.memory_space<vmem>>, vector<1x16xf32>,
        %get3A_396 = arith.index_cast %scan3A_19 : i32 to index
        %get3A_397 = arith.constant 432 : index
        %get3A_398 = tpu.vector_load %arg6[%get3A_396, %get3A_397] {strides = array<i32>} : memref<32x1024xf32, #tpu.memory_space<vmem>>, vector<1x16xf32>,
        %get3A_399 = vector.shape_cast %get3A_398 : vector<1x16xf32> to vector<16xf32>
        %get3A_400 = arith.index_cast %scan3A_19 : i32 to index
        %get3A_401 = arith.constant 432 : index
        %get3A_402 = tpu.vector_load %arg5[%get3A_400, %get3A_401] {strides = array<i32>} : memref<32x1024xf32, #tpu.memory_space<vmem>>, vector<1x16xf32>,
        %get3A_403 = vector.shape_cast %get3A_402 : vector<1x16xf32> to vector<16xf32>
        %add3A_404 = arith.addf %get3A_399, %get3A_403 : vector<16xf32>
        %swap3A_405 = arith.index_cast %scan3A_19 : i32 to index
        %swap3A_406 = arith.constant 432 : index
        %swap3A_407 = tpu.vector_load %arg6[%swap3A_405, %swap3A_406] {strides = array<i32>} : memref<32x1024xf32, #tpu.memory_space<vmem>>, vector<1x16xf32>,
        %swap3A_408 = vector.shape_cast %swap3A_407 : vector<1x16xf32> to vector<16xf32>
        %swap3A_409 = vector.shape_cast %add3A_404 : vector<16xf32> to vector<1x16xf32>
        tpu.vector_store %arg6[%swap3A_405, %swap3A_406], %swap3A_409 {strides = array<i32>} : memref<32x1024xf32, #tpu.memory_space<vmem>>, vector<1x16xf32>,
        %get3A_410 = arith.index_cast %scan3A_19 : i32 to index
        %get3A_411 = arith.constant 448 : index
        %get3A_412 = tpu.vector_load %arg6[%get3A_410, %get3A_411] {strides = array<i32>} : memref<32x1024xf32, #tpu.memory_space<vmem>>, vector<1x16xf32>,
        %get3A_413 = vector.shape_cast %get3A_412 : vector<1x16xf32> to vector<16xf32>
        %get3A_414 = arith.index_cast %scan3A_19 : i32 to index
        %get3A_415 = arith.constant 448 : index
        %get3A_416 = tpu.vector_load %arg5[%get3A_414, %get3A_415] {strides = array<i32>} : memref<32x1024xf32, #tpu.memory_space<vmem>>, vector<1x16xf32>,
        %get3A_417 = vector.shape_cast %get3A_416 : vector<1x16xf32> to vector<16xf32>
        %add3A_418 = arith.addf %get3A_413, %get3A_417 : vector<16xf32>
        %swap3A_419 = arith.index_cast %scan3A_19 : i32 to index
        %swap3A_420 = arith.constant 448 : index
        %swap3A_421 = tpu.vector_load %arg6[%swap3A_419, %swap3A_420] {strides = array<i32>} : memref<32x1024xf32, #tpu.memory_space<vmem>>, vector<1x16xf32>,
        %swap3A_422 = vector.shape_cast %swap3A_421 : vector<1x16xf32> to vector<16xf32>
        %swap3A_423 = vector.shape_cast %add3A_418 : vector<16xf32> to vector<1x16xf32>
        tpu.vector_store %arg6[%swap3A_419, %swap3A_420], %swap3A_423 {strides = array<i32>} : memref<32x1024xf32, #tpu.memory_space<vmem>>, vector<1x16xf32>,
        %get3A_424 = arith.index_cast %scan3A_19 : i32 to index
        %get3A_425 = arith.constant 464 : index
        %get3A_426 = tpu.vector_load %arg6[%get3A_424, %get3A_425] {strides = array<i32>} : memref<32x1024xf32, #tpu.memory_space<vmem>>, vector<1x16xf32>,
        %get3A_427 = vector.shape_cast %get3A_426 : vector<1x16xf32> to vector<16xf32>
        %get3A_428 = arith.index_cast %scan3A_19 : i32 to index
        %get3A_429 = arith.constant 464 : index
        %get3A_430 = tpu.vector_load %arg5[%get3A_428, %get3A_429] {strides = array<i32>} : memref<32x1024xf32, #tpu.memory_space<vmem>>, vector<1x16xf32>,
        %get3A_431 = vector.shape_cast %get3A_430 : vector<1x16xf32> to vector<16xf32>
        %add3A_432 = arith.addf %get3A_427, %get3A_431 : vector<16xf32>
        %swap3A_433 = arith.index_cast %scan3A_19 : i32 to index
        %swap3A_434 = arith.constant 464 : index
        %swap3A_435 = tpu.vector_load %arg6[%swap3A_433, %swap3A_434] {strides = array<i32>} : memref<32x1024xf32, #tpu.memory_space<vmem>>, vector<1x16xf32>,
        %swap3A_436 = vector.shape_cast %swap3A_435 : vector<1x16xf32> to vector<16xf32>
        %swap3A_437 = vector.shape_cast %add3A_432 : vector<16xf32> to vector<1x16xf32>
        tpu.vector_store %arg6[%swap3A_433, %swap3A_434], %swap3A_437 {strides = array<i32>} : memref<32x1024xf32, #tpu.memory_space<vmem>>, vector<1x16xf32>,
        %get3A_438 = arith.index_cast %scan3A_19 : i32 to index
        %get3A_439 = arith.constant 480 : index
        %get3A_440 = tpu.vector_load %arg6[%get3A_438, %get3A_439] {strides = array<i32>} : memref<32x1024xf32, #tpu.memory_space<vmem>>, vector<1x16xf32>,
        %get3A_441 = vector.shape_cast %get3A_440 : vector<1x16xf32> to vector<16xf32>
        %get3A_442 = arith.index_cast %scan3A_19 : i32 to index
        %get3A_443 = arith.constant 480 : index
        %get3A_444 = tpu.vector_load %arg5[%get3A_442, %get3A_443] {strides = array<i32>} : memref<32x1024xf32, #tpu.memory_space<vmem>>, vector<1x16xf32>,
        %get3A_445 = vector.shape_cast %get3A_444 : vector<1x16xf32> to vector<16xf32>
        %add3A_446 = arith.addf %get3A_441, %get3A_445 : vector<16xf32>
        %swap3A_447 = arith.index_cast %scan3A_19 : i32 to index
        %swap3A_448 = arith.constant 480 : index
        %swap3A_449 = tpu.vector_load %arg6[%swap3A_447, %swap3A_448] {strides = array<i32>} : memref<32x1024xf32, #tpu.memory_space<vmem>>, vector<1x16xf32>,
        %swap3A_450 = vector.shape_cast %swap3A_449 : vector<1x16xf32> to vector<16xf32>
        %swap3A_451 = vector.shape_cast %add3A_446 : vector<16xf32> to vector<1x16xf32>
        tpu.vector_store %arg6[%swap3A_447, %swap3A_448], %swap3A_451 {strides = array<i32>} : memref<32x1024xf32, #tpu.memory_space<vmem>>, vector<1x16xf32>,
        %get3A_452 = arith.index_cast %scan3A_19 : i32 to index
        %get3A_453 = arith.constant 496 : index
        %get3A_454 = tpu.vector_load %arg6[%get3A_452, %get3A_453] {strides = array<i32>} : memref<32x1024xf32, #tpu.memory_space<vmem>>, vector<1x16xf32>,
        %get3A_455 = vector.shape_cast %get3A_454 : vector<1x16xf32> to vector<16xf32>
        %get3A_456 = arith.index_cast %scan3A_19 : i32 to index
        %get3A_457 = arith.constant 496 : index
        %get3A_458 = tpu.vector_load %arg5[%get3A_456, %get3A_457] {strides = array<i32>} : memref<32x1024xf32, #tpu.memory_space<vmem>>, vector<1x16xf32>,
        %get3A_459 = vector.shape_cast %get3A_458 : vector<1x16xf32> to vector<16xf32>
        %add3A_460 = arith.addf %get3A_455, %get3A_459 : vector<16xf32>
        %swap3A_461 = arith.index_cast %scan3A_19 : i32 to index
        %swap3A_462 = arith.constant 496 : index
        %swap3A_463 = tpu.vector_load %arg6[%swap3A_461, %swap3A_462] {strides = array<i32>} : memref<32x1024xf32, #tpu.memory_space<vmem>>, vector<1x16xf32>,
        %swap3A_464 = vector.shape_cast %swap3A_463 : vector<1x16xf32> to vector<16xf32>
        %swap3A_465 = vector.shape_cast %add3A_460 : vector<16xf32> to vector<1x16xf32>
        tpu.vector_store %arg6[%swap3A_461, %swap3A_462], %swap3A_465 {strides = array<i32>} : memref<32x1024xf32, #tpu.memory_space<vmem>>, vector<1x16xf32>,
        %get3A_466 = arith.index_cast %scan3A_19 : i32 to index
        %get3A_467 = arith.constant 512 : index
        %get3A_468 = tpu.vector_load %arg6[%get3A_466, %get3A_467] {strides = array<i32>} : memref<32x1024xf32, #tpu.memory_space<vmem>>, vector<1x16xf32>,
        %get3A_469 = vector.shape_cast %get3A_468 : vector<1x16xf32> to vector<16xf32>
        %get3A_470 = arith.index_cast %scan3A_19 : i32 to index
        %get3A_471 = arith.constant 512 : index
        %get3A_472 = tpu.vector_load %arg5[%get3A_470, %get3A_471] {strides = array<i32>} : memref<32x1024xf32, #tpu.memory_space<vmem>>, vector<1x16xf32>,
        %get3A_473 = vector.shape_cast %get3A_472 : vector<1x16xf32> to vector<16xf32>
        %add3A_474 = arith.addf %get3A_469, %get3A_473 : vector<16xf32>
        %swap3A_475 = arith.index_cast %scan3A_19 : i32 to index
        %swap3A_476 = arith.constant 512 : index
        %swap3A_477 = tpu.vector_load %arg6[%swap3A_475, %swap3A_476] {strides = array<i32>} : memref<32x1024xf32, #tpu.memory_space<vmem>>, vector<1x16xf32>,
        %swap3A_478 = vector.shape_cast %swap3A_477 : vector<1x16xf32> to vector<16xf32>
        %swap3A_479 = vector.shape_cast %add3A_474 : vector<16xf32> to vector<1x16xf32>
        tpu.vector_store %arg6[%swap3A_475, %swap3A_476], %swap3A_479 {strides = array<i32>} : memref<32x1024xf32, #tpu.memory_space<vmem>>, vector<1x16xf32>,
        %get3A_480 = arith.index_cast %scan3A_19 : i32 to index
        %get3A_481 = arith.constant 528 : index
        %get3A_482 = tpu.vector_load %arg6[%get3A_480, %get3A_481] {strides = array<i32>} : memref<32x1024xf32, #tpu.memory_space<vmem>>, vector<1x16xf32>,
        %get3A_483 = vector.shape_cast %get3A_482 : vector<1x16xf32> to vector<16xf32>
        %get3A_484 = arith.index_cast %scan3A_19 : i32 to index
        %get3A_485 = arith.constant 528 : index
        %get3A_486 = tpu.vector_load %arg5[%get3A_484, %get3A_485] {strides = array<i32>} : memref<32x1024xf32, #tpu.memory_space<vmem>>, vector<1x16xf32>,
        %get3A_487 = vector.shape_cast %get3A_486 : vector<1x16xf32> to vector<16xf32>
        %add3A_488 = arith.addf %get3A_483, %get3A_487 : vector<16xf32>
        %swap3A_489 = arith.index_cast %scan3A_19 : i32 to index
        %swap3A_490 = arith.constant 528 : index
        %swap3A_491 = tpu.vector_load %arg6[%swap3A_489, %swap3A_490] {strides = array<i32>} : memref<32x1024xf32, #tpu.memory_space<vmem>>, vector<1x16xf32>,
        %swap3A_492 = vector.shape_cast %swap3A_491 : vector<1x16xf32> to vector<16xf32>
        %swap3A_493 = vector.shape_cast %add3A_488 : vector<16xf32> to vector<1x16xf32>
        tpu.vector_store %arg6[%swap3A_489, %swap3A_490], %swap3A_493 {strides = array<i32>} : memref<32x1024xf32, #tpu.memory_space<vmem>>, vector<1x16xf32>,
        %get3A_494 = arith.index_cast %scan3A_19 : i32 to index
        %get3A_495 = arith.constant 544 : index
        %get3A_496 = tpu.vector_load %arg6[%get3A_494, %get3A_495] {strides = array<i32>} : memref<32x1024xf32, #tpu.memory_space<vmem>>, vector<1x16xf32>,
        %get3A_497 = vector.shape_cast %get3A_496 : vector<1x16xf32> to vector<16xf32>
        %get3A_498 = arith.index_cast %scan3A_19 : i32 to index
        %get3A_499 = arith.constant 544 : index
        %get3A_500 = tpu.vector_load %arg5[%get3A_498, %get3A_499] {strides = array<i32>} : memref<32x1024xf32, #tpu.memory_space<vmem>>, vector<1x16xf32>,
        %get3A_501 = vector.shape_cast %get3A_500 : vector<1x16xf32> to vector<16xf32>
        %add3A_502 = arith.addf %get3A_497, %get3A_501 : vector<16xf32>
        %swap3A_503 = arith.index_cast %scan3A_19 : i32 to index
        %swap3A_504 = arith.constant 544 : index
        %swap3A_505 = tpu.vector_load %arg6[%swap3A_503, %swap3A_504] {strides = array<i32>} : memref<32x1024xf32, #tpu.memory_space<vmem>>, vector<1x16xf32>,
        %swap3A_506 = vector.shape_cast %swap3A_505 : vector<1x16xf32> to vector<16xf32>
        %swap3A_507 = vector.shape_cast %add3A_502 : vector<16xf32> to vector<1x16xf32>
        tpu.vector_store %arg6[%swap3A_503, %swap3A_504], %swap3A_507 {strides = array<i32>} : memref<32x1024xf32, #tpu.memory_space<vmem>>, vector<1x16xf32>,
        %get3A_508 = arith.index_cast %scan3A_19 : i32 to index
        %get3A_509 = arith.constant 560 : index
        %get3A_510 = tpu.vector_load %arg6[%get3A_508, %get3A_509] {strides = array<i32>} : memref<32x1024xf32, #tpu.memory_space<vmem>>, vector<1x16xf32>,
        %get3A_511 = vector.shape_cast %get3A_510 : vector<1x16xf32> to vector<16xf32>
        %get3A_512 = arith.index_cast %scan3A_19 : i32 to index
        %get3A_513 = arith.constant 560 : index
        %get3A_514 = tpu.vector_load %arg5[%get3A_512, %get3A_513] {strides = array<i32>} : memref<32x1024xf32, #tpu.memory_space<vmem>>, vector<1x16xf32>,
        %get3A_515 = vector.shape_cast %get3A_514 : vector<1x16xf32> to vector<16xf32>
        %add3A_516 = arith.addf %get3A_511, %get3A_515 : vector<16xf32>
        %swap3A_517 = arith.index_cast %scan3A_19 : i32 to index
        %swap3A_518 = arith.constant 560 : index
        %swap3A_519 = tpu.vector_load %arg6[%swap3A_517, %swap3A_518] {strides = array<i32>} : memref<32x1024xf32, #tpu.memory_space<vmem>>, vector<1x16xf32>,
        %swap3A_520 = vector.shape_cast %swap3A_519 : vector<1x16xf32> to vector<16xf32>
        %swap3A_521 = vector.shape_cast %add3A_516 : vector<16xf32> to vector<1x16xf32>
        tpu.vector_store %arg6[%swap3A_517, %swap3A_518], %swap3A_521 {strides = array<i32>} : memref<32x1024xf32, #tpu.memory_space<vmem>>, vector<1x16xf32>,
        %get3A_522 = arith.index_cast %scan3A_19 : i32 to index
        %get3A_523 = arith.constant 576 : index
        %get3A_524 = tpu.vector_load %arg6[%get3A_522, %get3A_523] {strides = array<i32>} : memref<32x1024xf32, #tpu.memory_space<vmem>>, vector<1x16xf32>,
        %get3A_525 = vector.shape_cast %get3A_524 : vector<1x16xf32> to vector<16xf32>
        %get3A_526 = arith.index_cast %scan3A_19 : i32 to index
        %get3A_527 = arith.constant 576 : index
        %get3A_528 = tpu.vector_load %arg5[%get3A_526, %get3A_527] {strides = array<i32>} : memref<32x1024xf32, #tpu.memory_space<vmem>>, vector<1x16xf32>,
        %get3A_529 = vector.shape_cast %get3A_528 : vector<1x16xf32> to vector<16xf32>
        %add3A_530 = arith.addf %get3A_525, %get3A_529 : vector<16xf32>
        %swap3A_531 = arith.index_cast %scan3A_19 : i32 to index
        %swap3A_532 = arith.constant 576 : index
        %swap3A_533 = tpu.vector_load %arg6[%swap3A_531, %swap3A_532] {strides = array<i32>} : memref<32x1024xf32, #tpu.memory_space<vmem>>, vector<1x16xf32>,
        %swap3A_534 = vector.shape_cast %swap3A_533 : vector<1x16xf32> to vector<16xf32>
        %swap3A_535 = vector.shape_cast %add3A_530 : vector<16xf32> to vector<1x16xf32>
        tpu.vector_store %arg6[%swap3A_531, %swap3A_532], %swap3A_535 {strides = array<i32>} : memref<32x1024xf32, #tpu.memory_space<vmem>>, vector<1x16xf32>,
        %get3A_536 = arith.index_cast %scan3A_19 : i32 to index
        %get3A_537 = arith.constant 592 : index
        %get3A_538 = tpu.vector_load %arg6[%get3A_536, %get3A_537] {strides = array<i32>} : memref<32x1024xf32, #tpu.memory_space<vmem>>, vector<1x16xf32>,
        %get3A_539 = vector.shape_cast %get3A_538 : vector<1x16xf32> to vector<16xf32>
        %get3A_540 = arith.index_cast %scan3A_19 : i32 to index
        %get3A_541 = arith.constant 592 : index
        %get3A_542 = tpu.vector_load %arg5[%get3A_540, %get3A_541] {strides = array<i32>} : memref<32x1024xf32, #tpu.memory_space<vmem>>, vector<1x16xf32>,
        %get3A_543 = vector.shape_cast %get3A_542 : vector<1x16xf32> to vector<16xf32>
        %add3A_544 = arith.addf %get3A_539, %get3A_543 : vector<16xf32>
        %swap3A_545 = arith.index_cast %scan3A_19 : i32 to index
        %swap3A_546 = arith.constant 592 : index
        %swap3A_547 = tpu.vector_load %arg6[%swap3A_545, %swap3A_546] {strides = array<i32>} : memref<32x1024xf32, #tpu.memory_space<vmem>>, vector<1x16xf32>,
        %swap3A_548 = vector.shape_cast %swap3A_547 : vector<1x16xf32> to vector<16xf32>
        %swap3A_549 = vector.shape_cast %add3A_544 : vector<16xf32> to vector<1x16xf32>
        tpu.vector_store %arg6[%swap3A_545, %swap3A_546], %swap3A_549 {strides = array<i32>} : memref<32x1024xf32, #tpu.memory_space<vmem>>, vector<1x16xf32>,
        %get3A_550 = arith.index_cast %scan3A_19 : i32 to index
        %get3A_551 = arith.constant 608 : index
        %get3A_552 = tpu.vector_load %arg6[%get3A_550, %get3A_551] {strides = array<i32>} : memref<32x1024xf32, #tpu.memory_space<vmem>>, vector<1x16xf32>,
        %get3A_553 = vector.shape_cast %get3A_552 : vector<1x16xf32> to vector<16xf32>
        %get3A_554 = arith.index_cast %scan3A_19 : i32 to index
        %get3A_555 = arith.constant 608 : index
        %get3A_556 = tpu.vector_load %arg5[%get3A_554, %get3A_555] {strides = array<i32>} : memref<32x1024xf32, #tpu.memory_space<vmem>>, vector<1x16xf32>,
        %get3A_557 = vector.shape_cast %get3A_556 : vector<1x16xf32> to vector<16xf32>
        %add3A_558 = arith.addf %get3A_553, %get3A_557 : vector<16xf32>
        %swap3A_559 = arith.index_cast %scan3A_19 : i32 to index
        %swap3A_560 = arith.constant 608 : index
        %swap3A_561 = tpu.vector_load %arg6[%swap3A_559, %swap3A_560] {strides = array<i32>} : memref<32x1024xf32, #tpu.memory_space<vmem>>, vector<1x16xf32>,
        %swap3A_562 = vector.shape_cast %swap3A_561 : vector<1x16xf32> to vector<16xf32>
        %swap3A_563 = vector.shape_cast %add3A_558 : vector<16xf32> to vector<1x16xf32>
        tpu.vector_store %arg6[%swap3A_559, %swap3A_560], %swap3A_563 {strides = array<i32>} : memref<32x1024xf32, #tpu.memory_space<vmem>>, vector<1x16xf32>,
        %get3A_564 = arith.index_cast %scan3A_19 : i32 to index
        %get3A_565 = arith.constant 624 : index
        %get3A_566 = tpu.vector_load %arg6[%get3A_564, %get3A_565] {strides = array<i32>} : memref<32x1024xf32, #tpu.memory_space<vmem>>, vector<1x16xf32>,
        %get3A_567 = vector.shape_cast %get3A_566 : vector<1x16xf32> to vector<16xf32>
        %get3A_568 = arith.index_cast %scan3A_19 : i32 to index
        %get3A_569 = arith.constant 624 : index
        %get3A_570 = tpu.vector_load %arg5[%get3A_568, %get3A_569] {strides = array<i32>} : memref<32x1024xf32, #tpu.memory_space<vmem>>, vector<1x16xf32>,
        %get3A_571 = vector.shape_cast %get3A_570 : vector<1x16xf32> to vector<16xf32>
        %add3A_572 = arith.addf %get3A_567, %get3A_571 : vector<16xf32>
        %swap3A_573 = arith.index_cast %scan3A_19 : i32 to index
        %swap3A_574 = arith.constant 624 : index
        %swap3A_575 = tpu.vector_load %arg6[%swap3A_573, %swap3A_574] {strides = array<i32>} : memref<32x1024xf32, #tpu.memory_space<vmem>>, vector<1x16xf32>,
        %swap3A_576 = vector.shape_cast %swap3A_575 : vector<1x16xf32> to vector<16xf32>
        %swap3A_577 = vector.shape_cast %add3A_572 : vector<16xf32> to vector<1x16xf32>
        tpu.vector_store %arg6[%swap3A_573, %swap3A_574], %swap3A_577 {strides = array<i32>} : memref<32x1024xf32, #tpu.memory_space<vmem>>, vector<1x16xf32>,
        %get3A_578 = arith.index_cast %scan3A_19 : i32 to index
        %get3A_579 = arith.constant 640 : index
        %get3A_580 = tpu.vector_load %arg6[%get3A_578, %get3A_579] {strides = array<i32>} : memref<32x1024xf32, #tpu.memory_space<vmem>>, vector<1x16xf32>,
        %get3A_581 = vector.shape_cast %get3A_580 : vector<1x16xf32> to vector<16xf32>
        %get3A_582 = arith.index_cast %scan3A_19 : i32 to index
        %get3A_583 = arith.constant 640 : index
        %get3A_584 = tpu.vector_load %arg5[%get3A_582, %get3A_583] {strides = array<i32>} : memref<32x1024xf32, #tpu.memory_space<vmem>>, vector<1x16xf32>,
        %get3A_585 = vector.shape_cast %get3A_584 : vector<1x16xf32> to vector<16xf32>
        %add3A_586 = arith.addf %get3A_581, %get3A_585 : vector<16xf32>
        %swap3A_587 = arith.index_cast %scan3A_19 : i32 to index
        %swap3A_588 = arith.constant 640 : index
        %swap3A_589 = tpu.vector_load %arg6[%swap3A_587, %swap3A_588] {strides = array<i32>} : memref<32x1024xf32, #tpu.memory_space<vmem>>, vector<1x16xf32>,
        %swap3A_590 = vector.shape_cast %swap3A_589 : vector<1x16xf32> to vector<16xf32>
        %swap3A_591 = vector.shape_cast %add3A_586 : vector<16xf32> to vector<1x16xf32>
        tpu.vector_store %arg6[%swap3A_587, %swap3A_588], %swap3A_591 {strides = array<i32>} : memref<32x1024xf32, #tpu.memory_space<vmem>>, vector<1x16xf32>,
        %get3A_592 = arith.index_cast %scan3A_19 : i32 to index
        %get3A_593 = arith.constant 656 : index
        %get3A_594 = tpu.vector_load %arg6[%get3A_592, %get3A_593] {strides = array<i32>} : memref<32x1024xf32, #tpu.memory_space<vmem>>, vector<1x16xf32>,
        %get3A_595 = vector.shape_cast %get3A_594 : vector<1x16xf32> to vector<16xf32>
        %get3A_596 = arith.index_cast %scan3A_19 : i32 to index
        %get3A_597 = arith.constant 656 : index
        %get3A_598 = tpu.vector_load %arg5[%get3A_596, %get3A_597] {strides = array<i32>} : memref<32x1024xf32, #tpu.memory_space<vmem>>, vector<1x16xf32>,
        %get3A_599 = vector.shape_cast %get3A_598 : vector<1x16xf32> to vector<16xf32>
        %add3A_600 = arith.addf %get3A_595, %get3A_599 : vector<16xf32>
        %swap3A_601 = arith.index_cast %scan3A_19 : i32 to index
        %swap3A_602 = arith.constant 656 : index
        %swap3A_603 = tpu.vector_load %arg6[%swap3A_601, %swap3A_602] {strides = array<i32>} : memref<32x1024xf32, #tpu.memory_space<vmem>>, vector<1x16xf32>,
        %swap3A_604 = vector.shape_cast %swap3A_603 : vector<1x16xf32> to vector<16xf32>
        %swap3A_605 = vector.shape_cast %add3A_600 : vector<16xf32> to vector<1x16xf32>
        tpu.vector_store %arg6[%swap3A_601, %swap3A_602], %swap3A_605 {strides = array<i32>} : memref<32x1024xf32, #tpu.memory_space<vmem>>, vector<1x16xf32>,
        %get3A_606 = arith.index_cast %scan3A_19 : i32 to index
        %get3A_607 = arith.constant 672 : index
        %get3A_608 = tpu.vector_load %arg6[%get3A_606, %get3A_607] {strides = array<i32>} : memref<32x1024xf32, #tpu.memory_space<vmem>>, vector<1x16xf32>,
        %get3A_609 = vector.shape_cast %get3A_608 : vector<1x16xf32> to vector<16xf32>
        %get3A_610 = arith.index_cast %scan3A_19 : i32 to index
        %get3A_611 = arith.constant 672 : index
        %get3A_612 = tpu.vector_load %arg5[%get3A_610, %get3A_611] {strides = array<i32>} : memref<32x1024xf32, #tpu.memory_space<vmem>>, vector<1x16xf32>,
        %get3A_613 = vector.shape_cast %get3A_612 : vector<1x16xf32> to vector<16xf32>
        %add3A_614 = arith.addf %get3A_609, %get3A_613 : vector<16xf32>
        %swap3A_615 = arith.index_cast %scan3A_19 : i32 to index
        %swap3A_616 = arith.constant 672 : index
        %swap3A_617 = tpu.vector_load %arg6[%swap3A_615, %swap3A_616] {strides = array<i32>} : memref<32x1024xf32, #tpu.memory_space<vmem>>, vector<1x16xf32>,
        %swap3A_618 = vector.shape_cast %swap3A_617 : vector<1x16xf32> to vector<16xf32>
        %swap3A_619 = vector.shape_cast %add3A_614 : vector<16xf32> to vector<1x16xf32>
        tpu.vector_store %arg6[%swap3A_615, %swap3A_616], %swap3A_619 {strides = array<i32>} : memref<32x1024xf32, #tpu.memory_space<vmem>>, vector<1x16xf32>,
        %get3A_620 = arith.index_cast %scan3A_19 : i32 to index
        %get3A_621 = arith.constant 688 : index
        %get3A_622 = tpu.vector_load %arg6[%get3A_620, %get3A_621] {strides = array<i32>} : memref<32x1024xf32, #tpu.memory_space<vmem>>, vector<1x16xf32>,
        %get3A_623 = vector.shape_cast %get3A_622 : vector<1x16xf32> to vector<16xf32>
        %get3A_624 = arith.index_cast %scan3A_19 : i32 to index
        %get3A_625 = arith.constant 688 : index
        %get3A_626 = tpu.vector_load %arg5[%get3A_624, %get3A_625] {strides = array<i32>} : memref<32x1024xf32, #tpu.memory_space<vmem>>, vector<1x16xf32>,
        %get3A_627 = vector.shape_cast %get3A_626 : vector<1x16xf32> to vector<16xf32>
        %add3A_628 = arith.addf %get3A_623, %get3A_627 : vector<16xf32>
        %swap3A_629 = arith.index_cast %scan3A_19 : i32 to index
        %swap3A_630 = arith.constant 688 : index
        %swap3A_631 = tpu.vector_load %arg6[%swap3A_629, %swap3A_630] {strides = array<i32>} : memref<32x1024xf32, #tpu.memory_space<vmem>>, vector<1x16xf32>,
        %swap3A_632 = vector.shape_cast %swap3A_631 : vector<1x16xf32> to vector<16xf32>
        %swap3A_633 = vector.shape_cast %add3A_628 : vector<16xf32> to vector<1x16xf32>
        tpu.vector_store %arg6[%swap3A_629, %swap3A_630], %swap3A_633 {strides = array<i32>} : memref<32x1024xf32, #tpu.memory_space<vmem>>, vector<1x16xf32>,
        %get3A_634 = arith.index_cast %scan3A_19 : i32 to index
        %get3A_635 = arith.constant 704 : index
        %get3A_636 = tpu.vector_load %arg6[%get3A_634, %get3A_635] {strides = array<i32>} : memref<32x1024xf32, #tpu.memory_space<vmem>>, vector<1x16xf32>,
        %get3A_637 = vector.shape_cast %get3A_636 : vector<1x16xf32> to vector<16xf32>
        %get3A_638 = arith.index_cast %scan3A_19 : i32 to index
        %get3A_639 = arith.constant 704 : index
        %get3A_640 = tpu.vector_load %arg5[%get3A_638, %get3A_639] {strides = array<i32>} : memref<32x1024xf32, #tpu.memory_space<vmem>>, vector<1x16xf32>,
        %get3A_641 = vector.shape_cast %get3A_640 : vector<1x16xf32> to vector<16xf32>
        %add3A_642 = arith.addf %get3A_637, %get3A_641 : vector<16xf32>
        %swap3A_643 = arith.index_cast %scan3A_19 : i32 to index
        %swap3A_644 = arith.constant 704 : index
        %swap3A_645 = tpu.vector_load %arg6[%swap3A_643, %swap3A_644] {strides = array<i32>} : memref<32x1024xf32, #tpu.memory_space<vmem>>, vector<1x16xf32>,
        %swap3A_646 = vector.shape_cast %swap3A_645 : vector<1x16xf32> to vector<16xf32>
        %swap3A_647 = vector.shape_cast %add3A_642 : vector<16xf32> to vector<1x16xf32>
        tpu.vector_store %arg6[%swap3A_643, %swap3A_644], %swap3A_647 {strides = array<i32>} : memref<32x1024xf32, #tpu.memory_space<vmem>>, vector<1x16xf32>,
        %get3A_648 = arith.index_cast %scan3A_19 : i32 to index
        %get3A_649 = arith.constant 720 : index
        %get3A_650 = tpu.vector_load %arg6[%get3A_648, %get3A_649] {strides = array<i32>} : memref<32x1024xf32, #tpu.memory_space<vmem>>, vector<1x16xf32>,
        %get3A_651 = vector.shape_cast %get3A_650 : vector<1x16xf32> to vector<16xf32>
        %get3A_652 = arith.index_cast %scan3A_19 : i32 to index
        %get3A_653 = arith.constant 720 : index
        %get3A_654 = tpu.vector_load %arg5[%get3A_652, %get3A_653] {strides = array<i32>} : memref<32x1024xf32, #tpu.memory_space<vmem>>, vector<1x16xf32>,
        %get3A_655 = vector.shape_cast %get3A_654 : vector<1x16xf32> to vector<16xf32>
        %add3A_656 = arith.addf %get3A_651, %get3A_655 : vector<16xf32>
        %swap3A_657 = arith.index_cast %scan3A_19 : i32 to index
        %swap3A_658 = arith.constant 720 : index
        %swap3A_659 = tpu.vector_load %arg6[%swap3A_657, %swap3A_658] {strides = array<i32>} : memref<32x1024xf32, #tpu.memory_space<vmem>>, vector<1x16xf32>,
        %swap3A_660 = vector.shape_cast %swap3A_659 : vector<1x16xf32> to vector<16xf32>
        %swap3A_661 = vector.shape_cast %add3A_656 : vector<16xf32> to vector<1x16xf32>
        tpu.vector_store %arg6[%swap3A_657, %swap3A_658], %swap3A_661 {strides = array<i32>} : memref<32x1024xf32, #tpu.memory_space<vmem>>, vector<1x16xf32>,
        %get3A_662 = arith.index_cast %scan3A_19 : i32 to index
        %get3A_663 = arith.constant 736 : index
        %get3A_664 = tpu.vector_load %arg6[%get3A_662, %get3A_663] {strides = array<i32>} : memref<32x1024xf32, #tpu.memory_space<vmem>>, vector<1x16xf32>,
        %get3A_665 = vector.shape_cast %get3A_664 : vector<1x16xf32> to vector<16xf32>
        %get3A_666 = arith.index_cast %scan3A_19 : i32 to index
        %get3A_667 = arith.constant 736 : index
        %get3A_668 = tpu.vector_load %arg5[%get3A_666, %get3A_667] {strides = array<i32>} : memref<32x1024xf32, #tpu.memory_space<vmem>>, vector<1x16xf32>,
        %get3A_669 = vector.shape_cast %get3A_668 : vector<1x16xf32> to vector<16xf32>
        %add3A_670 = arith.addf %get3A_665, %get3A_669 : vector<16xf32>
        %swap3A_671 = arith.index_cast %scan3A_19 : i32 to index
        %swap3A_672 = arith.constant 736 : index
        %swap3A_673 = tpu.vector_load %arg6[%swap3A_671, %swap3A_672] {strides = array<i32>} : memref<32x1024xf32, #tpu.memory_space<vmem>>, vector<1x16xf32>,
        %swap3A_674 = vector.shape_cast %swap3A_673 : vector<1x16xf32> to vector<16xf32>
        %swap3A_675 = vector.shape_cast %add3A_670 : vector<16xf32> to vector<1x16xf32>
        tpu.vector_store %arg6[%swap3A_671, %swap3A_672], %swap3A_675 {strides = array<i32>} : memref<32x1024xf32, #tpu.memory_space<vmem>>, vector<1x16xf32>,
        %get3A_676 = arith.index_cast %scan3A_19 : i32 to index
        %get3A_677 = arith.constant 752 : index
        %get3A_678 = tpu.vector_load %arg6[%get3A_676, %get3A_677] {strides = array<i32>} : memref<32x1024xf32, #tpu.memory_space<vmem>>, vector<1x16xf32>,
        %get3A_679 = vector.shape_cast %get3A_678 : vector<1x16xf32> to vector<16xf32>
        %get3A_680 = arith.index_cast %scan3A_19 : i32 to index
        %get3A_681 = arith.constant 752 : index
        %get3A_682 = tpu.vector_load %arg5[%get3A_680, %get3A_681] {strides = array<i32>} : memref<32x1024xf32, #tpu.memory_space<vmem>>, vector<1x16xf32>,
        %get3A_683 = vector.shape_cast %get3A_682 : vector<1x16xf32> to vector<16xf32>
        %add3A_684 = arith.addf %get3A_679, %get3A_683 : vector<16xf32>
        %swap3A_685 = arith.index_cast %scan3A_19 : i32 to index
        %swap3A_686 = arith.constant 752 : index
        %swap3A_687 = tpu.vector_load %arg6[%swap3A_685, %swap3A_686] {strides = array<i32>} : memref<32x1024xf32, #tpu.memory_space<vmem>>, vector<1x16xf32>,
        %swap3A_688 = vector.shape_cast %swap3A_687 : vector<1x16xf32> to vector<16xf32>
        %swap3A_689 = vector.shape_cast %add3A_684 : vector<16xf32> to vector<1x16xf32>
        tpu.vector_store %arg6[%swap3A_685, %swap3A_686], %swap3A_689 {strides = array<i32>} : memref<32x1024xf32, #tpu.memory_space<vmem>>, vector<1x16xf32>,
        %get3A_690 = arith.index_cast %scan3A_19 : i32 to index
        %get3A_691 = arith.constant 768 : index
        %get3A_692 = tpu.vector_load %arg6[%get3A_690, %get3A_691] {strides = array<i32>} : memref<32x1024xf32, #tpu.memory_space<vmem>>, vector<1x16xf32>,
        %get3A_693 = vector.shape_cast %get3A_692 : vector<1x16xf32> to vector<16xf32>
        %get3A_694 = arith.index_cast %scan3A_19 : i32 to index
        %get3A_695 = arith.constant 768 : index
        %get3A_696 = tpu.vector_load %arg5[%get3A_694, %get3A_695] {strides = array<i32>} : memref<32x1024xf32, #tpu.memory_space<vmem>>, vector<1x16xf32>,
        %get3A_697 = vector.shape_cast %get3A_696 : vector<1x16xf32> to vector<16xf32>
        %add3A_698 = arith.addf %get3A_693, %get3A_697 : vector<16xf32>
        %swap3A_699 = arith.index_cast %scan3A_19 : i32 to index
        %swap3A_700 = arith.constant 768 : index
        %swap3A_701 = tpu.vector_load %arg6[%swap3A_699, %swap3A_700] {strides = array<i32>} : memref<32x1024xf32, #tpu.memory_space<vmem>>, vector<1x16xf32>,
        %swap3A_702 = vector.shape_cast %swap3A_701 : vector<1x16xf32> to vector<16xf32>
        %swap3A_703 = vector.shape_cast %add3A_698 : vector<16xf32> to vector<1x16xf32>
        tpu.vector_store %arg6[%swap3A_699, %swap3A_700], %swap3A_703 {strides = array<i32>} : memref<32x1024xf32, #tpu.memory_space<vmem>>, vector<1x16xf32>,
        %get3A_704 = arith.index_cast %scan3A_19 : i32 to index
        %get3A_705 = arith.constant 784 : index
        %get3A_706 = tpu.vector_load %arg6[%get3A_704, %get3A_705] {strides = array<i32>} : memref<32x1024xf32, #tpu.memory_space<vmem>>, vector<1x16xf32>,
        %get3A_707 = vector.shape_cast %get3A_706 : vector<1x16xf32> to vector<16xf32>
        %get3A_708 = arith.index_cast %scan3A_19 : i32 to index
        %get3A_709 = arith.constant 784 : index
        %get3A_710 = tpu.vector_load %arg5[%get3A_708, %get3A_709] {strides = array<i32>} : memref<32x1024xf32, #tpu.memory_space<vmem>>, vector<1x16xf32>,
        %get3A_711 = vector.shape_cast %get3A_710 : vector<1x16xf32> to vector<16xf32>
        %add3A_712 = arith.addf %get3A_707, %get3A_711 : vector<16xf32>
        %swap3A_713 = arith.index_cast %scan3A_19 : i32 to index
        %swap3A_714 = arith.constant 784 : index
        %swap3A_715 = tpu.vector_load %arg6[%swap3A_713, %swap3A_714] {strides = array<i32>} : memref<32x1024xf32, #tpu.memory_space<vmem>>, vector<1x16xf32>,
        %swap3A_716 = vector.shape_cast %swap3A_715 : vector<1x16xf32> to vector<16xf32>
        %swap3A_717 = vector.shape_cast %add3A_712 : vector<16xf32> to vector<1x16xf32>
        tpu.vector_store %arg6[%swap3A_713, %swap3A_714], %swap3A_717 {strides = array<i32>} : memref<32x1024xf32, #tpu.memory_space<vmem>>, vector<1x16xf32>,
        %get3A_718 = arith.index_cast %scan3A_19 : i32 to index
        %get3A_719 = arith.constant 800 : index
        %get3A_720 = tpu.vector_load %arg6[%get3A_718, %get3A_719] {strides = array<i32>} : memref<32x1024xf32, #tpu.memory_space<vmem>>, vector<1x16xf32>,
        %get3A_721 = vector.shape_cast %get3A_720 : vector<1x16xf32> to vector<16xf32>
        %get3A_722 = arith.index_cast %scan3A_19 : i32 to index
        %get3A_723 = arith.constant 800 : index
        %get3A_724 = tpu.vector_load %arg5[%get3A_722, %get3A_723] {strides = array<i32>} : memref<32x1024xf32, #tpu.memory_space<vmem>>, vector<1x16xf32>,
        %get3A_725 = vector.shape_cast %get3A_724 : vector<1x16xf32> to vector<16xf32>
        %add3A_726 = arith.addf %get3A_721, %get3A_725 : vector<16xf32>
        %swap3A_727 = arith.index_cast %scan3A_19 : i32 to index
        %swap3A_728 = arith.constant 800 : index
        %swap3A_729 = tpu.vector_load %arg6[%swap3A_727, %swap3A_728] {strides = array<i32>} : memref<32x1024xf32, #tpu.memory_space<vmem>>, vector<1x16xf32>,
        %swap3A_730 = vector.shape_cast %swap3A_729 : vector<1x16xf32> to vector<16xf32>
        %swap3A_731 = vector.shape_cast %add3A_726 : vector<16xf32> to vector<1x16xf32>
        tpu.vector_store %arg6[%swap3A_727, %swap3A_728], %swap3A_731 {strides = array<i32>} : memref<32x1024xf32, #tpu.memory_space<vmem>>, vector<1x16xf32>,
        %get3A_732 = arith.index_cast %scan3A_19 : i32 to index
        %get3A_733 = arith.constant 816 : index
        %get3A_734 = tpu.vector_load %arg6[%get3A_732, %get3A_733] {strides = array<i32>} : memref<32x1024xf32, #tpu.memory_space<vmem>>, vector<1x16xf32>,
        %get3A_735 = vector.shape_cast %get3A_734 : vector<1x16xf32> to vector<16xf32>
        %get3A_736 = arith.index_cast %scan3A_19 : i32 to index
        %get3A_737 = arith.constant 816 : index
        %get3A_738 = tpu.vector_load %arg5[%get3A_736, %get3A_737] {strides = array<i32>} : memref<32x1024xf32, #tpu.memory_space<vmem>>, vector<1x16xf32>,
        %get3A_739 = vector.shape_cast %get3A_738 : vector<1x16xf32> to vector<16xf32>
        %add3A_740 = arith.addf %get3A_735, %get3A_739 : vector<16xf32>
        %swap3A_741 = arith.index_cast %scan3A_19 : i32 to index
        %swap3A_742 = arith.constant 816 : index
        %swap3A_743 = tpu.vector_load %arg6[%swap3A_741, %swap3A_742] {strides = array<i32>} : memref<32x1024xf32, #tpu.memory_space<vmem>>, vector<1x16xf32>,
        %swap3A_744 = vector.shape_cast %swap3A_743 : vector<1x16xf32> to vector<16xf32>
        %swap3A_745 = vector.shape_cast %add3A_740 : vector<16xf32> to vector<1x16xf32>
        tpu.vector_store %arg6[%swap3A_741, %swap3A_742], %swap3A_745 {strides = array<i32>} : memref<32x1024xf32, #tpu.memory_space<vmem>>, vector<1x16xf32>,
        %get3A_746 = arith.index_cast %scan3A_19 : i32 to index
        %get3A_747 = arith.constant 832 : index
        %get3A_748 = tpu.vector_load %arg6[%get3A_746, %get3A_747] {strides = array<i32>} : memref<32x1024xf32, #tpu.memory_space<vmem>>, vector<1x16xf32>,
        %get3A_749 = vector.shape_cast %get3A_748 : vector<1x16xf32> to vector<16xf32>
        %get3A_750 = arith.index_cast %scan3A_19 : i32 to index
        %get3A_751 = arith.constant 832 : index
        %get3A_752 = tpu.vector_load %arg5[%get3A_750, %get3A_751] {strides = array<i32>} : memref<32x1024xf32, #tpu.memory_space<vmem>>, vector<1x16xf32>,
        %get3A_753 = vector.shape_cast %get3A_752 : vector<1x16xf32> to vector<16xf32>
        %add3A_754 = arith.addf %get3A_749, %get3A_753 : vector<16xf32>
        %swap3A_755 = arith.index_cast %scan3A_19 : i32 to index
        %swap3A_756 = arith.constant 832 : index
        %swap3A_757 = tpu.vector_load %arg6[%swap3A_755, %swap3A_756] {strides = array<i32>} : memref<32x1024xf32, #tpu.memory_space<vmem>>, vector<1x16xf32>,
        %swap3A_758 = vector.shape_cast %swap3A_757 : vector<1x16xf32> to vector<16xf32>
        %swap3A_759 = vector.shape_cast %add3A_754 : vector<16xf32> to vector<1x16xf32>
        tpu.vector_store %arg6[%swap3A_755, %swap3A_756], %swap3A_759 {strides = array<i32>} : memref<32x1024xf32, #tpu.memory_space<vmem>>, vector<1x16xf32>,
        %get3A_760 = arith.index_cast %scan3A_19 : i32 to index
        %get3A_761 = arith.constant 848 : index
        %get3A_762 = tpu.vector_load %arg6[%get3A_760, %get3A_761] {strides = array<i32>} : memref<32x1024xf32, #tpu.memory_space<vmem>>, vector<1x16xf32>,
        %get3A_763 = vector.shape_cast %get3A_762 : vector<1x16xf32> to vector<16xf32>
        %get3A_764 = arith.index_cast %scan3A_19 : i32 to index
        %get3A_765 = arith.constant 848 : index
        %get3A_766 = tpu.vector_load %arg5[%get3A_764, %get3A_765] {strides = array<i32>} : memref<32x1024xf32, #tpu.memory_space<vmem>>, vector<1x16xf32>,
        %get3A_767 = vector.shape_cast %get3A_766 : vector<1x16xf32> to vector<16xf32>
        %add3A_768 = arith.addf %get3A_763, %get3A_767 : vector<16xf32>
        %swap3A_769 = arith.index_cast %scan3A_19 : i32 to index
        %swap3A_770 = arith.constant 848 : index
        %swap3A_771 = tpu.vector_load %arg6[%swap3A_769, %swap3A_770] {strides = array<i32>} : memref<32x1024xf32, #tpu.memory_space<vmem>>, vector<1x16xf32>,
        %swap3A_772 = vector.shape_cast %swap3A_771 : vector<1x16xf32> to vector<16xf32>
        %swap3A_773 = vector.shape_cast %add3A_768 : vector<16xf32> to vector<1x16xf32>
        tpu.vector_store %arg6[%swap3A_769, %swap3A_770], %swap3A_773 {strides = array<i32>} : memref<32x1024xf32, #tpu.memory_space<vmem>>, vector<1x16xf32>,
        %get3A_774 = arith.index_cast %scan3A_19 : i32 to index
        %get3A_775 = arith.constant 864 : index
        %get3A_776 = tpu.vector_load %arg6[%get3A_774, %get3A_775] {strides = array<i32>} : memref<32x1024xf32, #tpu.memory_space<vmem>>, vector<1x16xf32>,
        %get3A_777 = vector.shape_cast %get3A_776 : vector<1x16xf32> to vector<16xf32>
        %get3A_778 = arith.index_cast %scan3A_19 : i32 to index
        %get3A_779 = arith.constant 864 : index
        %get3A_780 = tpu.vector_load %arg5[%get3A_778, %get3A_779] {strides = array<i32>} : memref<32x1024xf32, #tpu.memory_space<vmem>>, vector<1x16xf32>,
        %get3A_781 = vector.shape_cast %get3A_780 : vector<1x16xf32> to vector<16xf32>
        %add3A_782 = arith.addf %get3A_777, %get3A_781 : vector<16xf32>
        %swap3A_783 = arith.index_cast %scan3A_19 : i32 to index
        %swap3A_784 = arith.constant 864 : index
        %swap3A_785 = tpu.vector_load %arg6[%swap3A_783, %swap3A_784] {strides = array<i32>} : memref<32x1024xf32, #tpu.memory_space<vmem>>, vector<1x16xf32>,
        %swap3A_786 = vector.shape_cast %swap3A_785 : vector<1x16xf32> to vector<16xf32>
        %swap3A_787 = vector.shape_cast %add3A_782 : vector<16xf32> to vector<1x16xf32>
        tpu.vector_store %arg6[%swap3A_783, %swap3A_784], %swap3A_787 {strides = array<i32>} : memref<32x1024xf32, #tpu.memory_space<vmem>>, vector<1x16xf32>,
        %get3A_788 = arith.index_cast %scan3A_19 : i32 to index
        %get3A_789 = arith.constant 880 : index
        %get3A_790 = tpu.vector_load %arg6[%get3A_788, %get3A_789] {strides = array<i32>} : memref<32x1024xf32, #tpu.memory_space<vmem>>, vector<1x16xf32>,
        %get3A_791 = vector.shape_cast %get3A_790 : vector<1x16xf32> to vector<16xf32>
        %get3A_792 = arith.index_cast %scan3A_19 : i32 to index
        %get3A_793 = arith.constant 880 : index
        %get3A_794 = tpu.vector_load %arg5[%get3A_792, %get3A_793] {strides = array<i32>} : memref<32x1024xf32, #tpu.memory_space<vmem>>, vector<1x16xf32>,
        %get3A_795 = vector.shape_cast %get3A_794 : vector<1x16xf32> to vector<16xf32>
        %add3A_796 = arith.addf %get3A_791, %get3A_795 : vector<16xf32>
        %swap3A_797 = arith.index_cast %scan3A_19 : i32 to index
        %swap3A_798 = arith.constant 880 : index
        %swap3A_799 = tpu.vector_load %arg6[%swap3A_797, %swap3A_798] {strides = array<i32>} : memref<32x1024xf32, #tpu.memory_space<vmem>>, vector<1x16xf32>,
        %swap3A_800 = vector.shape_cast %swap3A_799 : vector<1x16xf32> to vector<16xf32>
        %swap3A_801 = vector.shape_cast %add3A_796 : vector<16xf32> to vector<1x16xf32>
        tpu.vector_store %arg6[%swap3A_797, %swap3A_798], %swap3A_801 {strides = array<i32>} : memref<32x1024xf32, #tpu.memory_space<vmem>>, vector<1x16xf32>,
        %get3A_802 = arith.index_cast %scan3A_19 : i32 to index
        %get3A_803 = arith.constant 896 : index
        %get3A_804 = tpu.vector_load %arg6[%get3A_802, %get3A_803] {strides = array<i32>} : memref<32x1024xf32, #tpu.memory_space<vmem>>, vector<1x16xf32>,
        %get3A_805 = vector.shape_cast %get3A_804 : vector<1x16xf32> to vector<16xf32>
        %get3A_806 = arith.index_cast %scan3A_19 : i32 to index
        %get3A_807 = arith.constant 896 : index
        %get3A_808 = tpu.vector_load %arg5[%get3A_806, %get3A_807] {strides = array<i32>} : memref<32x1024xf32, #tpu.memory_space<vmem>>, vector<1x16xf32>,
        %get3A_809 = vector.shape_cast %get3A_808 : vector<1x16xf32> to vector<16xf32>
        %add3A_810 = arith.addf %get3A_805, %get3A_809 : vector<16xf32>
        %swap3A_811 = arith.index_cast %scan3A_19 : i32 to index
        %swap3A_812 = arith.constant 896 : index
        %swap3A_813 = tpu.vector_load %arg6[%swap3A_811, %swap3A_812] {strides = array<i32>} : memref<32x1024xf32, #tpu.memory_space<vmem>>, vector<1x16xf32>,
        %swap3A_814 = vector.shape_cast %swap3A_813 : vector<1x16xf32> to vector<16xf32>
        %swap3A_815 = vector.shape_cast %add3A_810 : vector<16xf32> to vector<1x16xf32>
        tpu.vector_store %arg6[%swap3A_811, %swap3A_812], %swap3A_815 {strides = array<i32>} : memref<32x1024xf32, #tpu.memory_space<vmem>>, vector<1x16xf32>,
        %get3A_816 = arith.index_cast %scan3A_19 : i32 to index
        %get3A_817 = arith.constant 912 : index
        %get3A_818 = tpu.vector_load %arg6[%get3A_816, %get3A_817] {strides = array<i32>} : memref<32x1024xf32, #tpu.memory_space<vmem>>, vector<1x16xf32>,
        %get3A_819 = vector.shape_cast %get3A_818 : vector<1x16xf32> to vector<16xf32>
        %get3A_820 = arith.index_cast %scan3A_19 : i32 to index
        %get3A_821 = arith.constant 912 : index
        %get3A_822 = tpu.vector_load %arg5[%get3A_820, %get3A_821] {strides = array<i32>} : memref<32x1024xf32, #tpu.memory_space<vmem>>, vector<1x16xf32>,
        %get3A_823 = vector.shape_cast %get3A_822 : vector<1x16xf32> to vector<16xf32>
        %add3A_824 = arith.addf %get3A_819, %get3A_823 : vector<16xf32>
        %swap3A_825 = arith.index_cast %scan3A_19 : i32 to index
        %swap3A_826 = arith.constant 912 : index
        %swap3A_827 = tpu.vector_load %arg6[%swap3A_825, %swap3A_826] {strides = array<i32>} : memref<32x1024xf32, #tpu.memory_space<vmem>>, vector<1x16xf32>,
        %swap3A_828 = vector.shape_cast %swap3A_827 : vector<1x16xf32> to vector<16xf32>
        %swap3A_829 = vector.shape_cast %add3A_824 : vector<16xf32> to vector<1x16xf32>
        tpu.vector_store %arg6[%swap3A_825, %swap3A_826], %swap3A_829 {strides = array<i32>} : memref<32x1024xf32, #tpu.memory_space<vmem>>, vector<1x16xf32>,
        %get3A_830 = arith.index_cast %scan3A_19 : i32 to index
        %get3A_831 = arith.constant 928 : index
        %get3A_832 = tpu.vector_load %arg6[%get3A_830, %get3A_831] {strides = array<i32>} : memref<32x1024xf32, #tpu.memory_space<vmem>>, vector<1x16xf32>,
        %get3A_833 = vector.shape_cast %get3A_832 : vector<1x16xf32> to vector<16xf32>
        %get3A_834 = arith.index_cast %scan3A_19 : i32 to index
        %get3A_835 = arith.constant 928 : index
        %get3A_836 = tpu.vector_load %arg5[%get3A_834, %get3A_835] {strides = array<i32>} : memref<32x1024xf32, #tpu.memory_space<vmem>>, vector<1x16xf32>,
        %get3A_837 = vector.shape_cast %get3A_836 : vector<1x16xf32> to vector<16xf32>
        %add3A_838 = arith.addf %get3A_833, %get3A_837 : vector<16xf32>
        %swap3A_839 = arith.index_cast %scan3A_19 : i32 to index
        %swap3A_840 = arith.constant 928 : index
        %swap3A_841 = tpu.vector_load %arg6[%swap3A_839, %swap3A_840] {strides = array<i32>} : memref<32x1024xf32, #tpu.memory_space<vmem>>, vector<1x16xf32>,
        %swap3A_842 = vector.shape_cast %swap3A_841 : vector<1x16xf32> to vector<16xf32>
        %swap3A_843 = vector.shape_cast %add3A_838 : vector<16xf32> to vector<1x16xf32>
        tpu.vector_store %arg6[%swap3A_839, %swap3A_840], %swap3A_843 {strides = array<i32>} : memref<32x1024xf32, #tpu.memory_space<vmem>>, vector<1x16xf32>,
        %get3A_844 = arith.index_cast %scan3A_19 : i32 to index
        %get3A_845 = arith.constant 944 : index
        %get3A_846 = tpu.vector_load %arg6[%get3A_844, %get3A_845] {strides = array<i32>} : memref<32x1024xf32, #tpu.memory_space<vmem>>, vector<1x16xf32>,
        %get3A_847 = vector.shape_cast %get3A_846 : vector<1x16xf32> to vector<16xf32>
        %get3A_848 = arith.index_cast %scan3A_19 : i32 to index
        %get3A_849 = arith.constant 944 : index
        %get3A_850 = tpu.vector_load %arg5[%get3A_848, %get3A_849] {strides = array<i32>} : memref<32x1024xf32, #tpu.memory_space<vmem>>, vector<1x16xf32>,
        %get3A_851 = vector.shape_cast %get3A_850 : vector<1x16xf32> to vector<16xf32>
        %add3A_852 = arith.addf %get3A_847, %get3A_851 : vector<16xf32>
        %swap3A_853 = arith.index_cast %scan3A_19 : i32 to index
        %swap3A_854 = arith.constant 944 : index
        %swap3A_855 = tpu.vector_load %arg6[%swap3A_853, %swap3A_854] {strides = array<i32>} : memref<32x1024xf32, #tpu.memory_space<vmem>>, vector<1x16xf32>,
        %swap3A_856 = vector.shape_cast %swap3A_855 : vector<1x16xf32> to vector<16xf32>
        %swap3A_857 = vector.shape_cast %add3A_852 : vector<16xf32> to vector<1x16xf32>
        tpu.vector_store %arg6[%swap3A_853, %swap3A_854], %swap3A_857 {strides = array<i32>} : memref<32x1024xf32, #tpu.memory_space<vmem>>, vector<1x16xf32>,
        %get3A_858 = arith.index_cast %scan3A_19 : i32 to index
        %get3A_859 = arith.constant 960 : index
        %get3A_860 = tpu.vector_load %arg6[%get3A_858, %get3A_859] {strides = array<i32>} : memref<32x1024xf32, #tpu.memory_space<vmem>>, vector<1x16xf32>,
        %get3A_861 = vector.shape_cast %get3A_860 : vector<1x16xf32> to vector<16xf32>
        %get3A_862 = arith.index_cast %scan3A_19 : i32 to index
        %get3A_863 = arith.constant 960 : index
        %get3A_864 = tpu.vector_load %arg5[%get3A_862, %get3A_863] {strides = array<i32>} : memref<32x1024xf32, #tpu.memory_space<vmem>>, vector<1x16xf32>,
        %get3A_865 = vector.shape_cast %get3A_864 : vector<1x16xf32> to vector<16xf32>
        %add3A_866 = arith.addf %get3A_861, %get3A_865 : vector<16xf32>
        %swap3A_867 = arith.index_cast %scan3A_19 : i32 to index
        %swap3A_868 = arith.constant 960 : index
        %swap3A_869 = tpu.vector_load %arg6[%swap3A_867, %swap3A_868] {strides = array<i32>} : memref<32x1024xf32, #tpu.memory_space<vmem>>, vector<1x16xf32>,
        %swap3A_870 = vector.shape_cast %swap3A_869 : vector<1x16xf32> to vector<16xf32>
        %swap3A_871 = vector.shape_cast %add3A_866 : vector<16xf32> to vector<1x16xf32>
        tpu.vector_store %arg6[%swap3A_867, %swap3A_868], %swap3A_871 {strides = array<i32>} : memref<32x1024xf32, #tpu.memory_space<vmem>>, vector<1x16xf32>,
        %get3A_872 = arith.index_cast %scan3A_19 : i32 to index
        %get3A_873 = arith.constant 976 : index
        %get3A_874 = tpu.vector_load %arg6[%get3A_872, %get3A_873] {strides = array<i32>} : memref<32x1024xf32, #tpu.memory_space<vmem>>, vector<1x16xf32>,
        %get3A_875 = vector.shape_cast %get3A_874 : vector<1x16xf32> to vector<16xf32>
        %get3A_876 = arith.index_cast %scan3A_19 : i32 to index
        %get3A_877 = arith.constant 976 : index
        %get3A_878 = tpu.vector_load %arg5[%get3A_876, %get3A_877] {strides = array<i32>} : memref<32x1024xf32, #tpu.memory_space<vmem>>, vector<1x16xf32>,
        %get3A_879 = vector.shape_cast %get3A_878 : vector<1x16xf32> to vector<16xf32>
        %add3A_880 = arith.addf %get3A_875, %get3A_879 : vector<16xf32>
        %swap3A_881 = arith.index_cast %scan3A_19 : i32 to index
        %swap3A_882 = arith.constant 976 : index
        %swap3A_883 = tpu.vector_load %arg6[%swap3A_881, %swap3A_882] {strides = array<i32>} : memref<32x1024xf32, #tpu.memory_space<vmem>>, vector<1x16xf32>,
        %swap3A_884 = vector.shape_cast %swap3A_883 : vector<1x16xf32> to vector<16xf32>
        %swap3A_885 = vector.shape_cast %add3A_880 : vector<16xf32> to vector<1x16xf32>
        tpu.vector_store %arg6[%swap3A_881, %swap3A_882], %swap3A_885 {strides = array<i32>} : memref<32x1024xf32, #tpu.memory_space<vmem>>, vector<1x16xf32>,
        %get3A_886 = arith.index_cast %scan3A_19 : i32 to index
        %get3A_887 = arith.constant 992 : index
        %get3A_888 = tpu.vector_load %arg6[%get3A_886, %get3A_887] {strides = array<i32>} : memref<32x1024xf32, #tpu.memory_space<vmem>>, vector<1x16xf32>,
        %get3A_889 = vector.shape_cast %get3A_888 : vector<1x16xf32> to vector<16xf32>
        %get3A_890 = arith.index_cast %scan3A_19 : i32 to index
        %get3A_891 = arith.constant 992 : index
        %get3A_892 = tpu.vector_load %arg5[%get3A_890, %get3A_891] {strides = array<i32>} : memref<32x1024xf32, #tpu.memory_space<vmem>>, vector<1x16xf32>,
        %get3A_893 = vector.shape_cast %get3A_892 : vector<1x16xf32> to vector<16xf32>
        %add3A_894 = arith.addf %get3A_889, %get3A_893 : vector<16xf32>
        %swap3A_895 = arith.index_cast %scan3A_19 : i32 to index
        %swap3A_896 = arith.constant 992 : index
        %swap3A_897 = tpu.vector_load %arg6[%swap3A_895, %swap3A_896] {strides = array<i32>} : memref<32x1024xf32, #tpu.memory_space<vmem>>, vector<1x16xf32>,
        %swap3A_898 = vector.shape_cast %swap3A_897 : vector<1x16xf32> to vector<16xf32>
        %swap3A_899 = vector.shape_cast %add3A_894 : vector<16xf32> to vector<1x16xf32>
        tpu.vector_store %arg6[%swap3A_895, %swap3A_896], %swap3A_899 {strides = array<i32>} : memref<32x1024xf32, #tpu.memory_space<vmem>>, vector<1x16xf32>,
        %get3A_900 = arith.index_cast %scan3A_19 : i32 to index
        %get3A_901 = arith.constant 1008 : index
        %get3A_902 = tpu.vector_load %arg6[%get3A_900, %get3A_901] {strides = array<i32>} : memref<32x1024xf32, #tpu.memory_space<vmem>>, vector<1x16xf32>,
        %get3A_903 = vector.shape_cast %get3A_902 : vector<1x16xf32> to vector<16xf32>
        %get3A_904 = arith.index_cast %scan3A_19 : i32 to index
        %get3A_905 = arith.constant 1008 : index
        %get3A_906 = tpu.vector_load %arg5[%get3A_904, %get3A_905] {strides = array<i32>} : memref<32x1024xf32, #tpu.memory_space<vmem>>, vector<1x16xf32>,
        %get3A_907 = vector.shape_cast %get3A_906 : vector<1x16xf32> to vector<16xf32>
        %add3A_908 = arith.addf %get3A_903, %get3A_907 : vector<16xf32>
        %swap3A_909 = arith.index_cast %scan3A_19 : i32 to index
        %swap3A_910 = arith.constant 1008 : index
        %swap3A_911 = tpu.vector_load %arg6[%swap3A_909, %swap3A_910] {strides = array<i32>} : memref<32x1024xf32, #tpu.memory_space<vmem>>, vector<1x16xf32>,
        %swap3A_912 = vector.shape_cast %swap3A_911 : vector<1x16xf32> to vector<16xf32>
        %swap3A_913 = vector.shape_cast %add3A_908 : vector<16xf32> to vector<1x16xf32>
        tpu.vector_store %arg6[%swap3A_909, %swap3A_910], %swap3A_913 {strides = array<i32>} : memref<32x1024xf32, #tpu.memory_space<vmem>>, vector<1x16xf32>,
      }
      %scan3A_17 = arith.constant 32 : i32
      %run_scoped3A_18 = arith.constant 0 : i32
      "tpu.region"() ({
        %run_scoped3A_19 = tpu.sem_alloc : memref<!tpu.dma_semaphore, #tpu.memory_space<semaphore_mem>>
        %dma_start3A = arith.constant 0 : i32
        %dma_start3A_20 = tpu.memref_slice %arg4[%run_scoped3A_18, %add3A_11, %dma_start3A] : memref<1x8192x1024xf32, #tpu.memory_space<hbm>> -> memref<1x32x1024xf32, #tpu.memory_space<hbm>>
        %dma_start3A_21 = tpu.memref_squeeze %dma_start3A_20 : memref<1x32x1024xf32, #tpu.memory_space<hbm>> -> memref<32x1024xf32, #tpu.memory_space<hbm>>
        %dma_start3A_22 = arith.constant 0 : i32
        %dma_start3A_23 = tpu.memref_slice %arg4[%run_scoped3A_18, %add3A_11, %dma_start3A_22] : memref<1x8192x1024xf32, #tpu.memory_space<hbm>> -> memref<1x32x1024xf32, #tpu.memory_space<hbm>>
        %dma_start3A_24 = tpu.memref_squeeze %dma_start3A_23 : memref<1x32x1024xf32, #tpu.memory_space<hbm>> -> memref<32x1024xf32, #tpu.memory_space<hbm>>
        tpu.enqueue_dma source(%arg6 : memref<32x1024xf32, #tpu.memory_space<vmem>>) target(%dma_start3A_24 : memref<32x1024xf32, #tpu.memory_space<hbm>>) target_semaphore(%run_scoped3A_19 : memref<!tpu.dma_semaphore, #tpu.memory_space<semaphore_mem>>)
        %dma_wait3A = arith.constant 0 : i32
        %dma_wait3A_25 = tpu.memref_slice %arg4[%run_scoped3A_18, %add3A_11, %dma_wait3A] : memref<1x8192x1024xf32, #tpu.memory_space<hbm>> -> memref<1x32x1024xf32, #tpu.memory_space<hbm>>
        %dma_wait3A_26 = tpu.memref_squeeze %dma_wait3A_25 : memref<1x32x1024xf32, #tpu.memory_space<hbm>> -> memref<32x1024xf32, #tpu.memory_space<hbm>>
        %dma_wait3A_27 = arith.constant 0 : i32
        %dma_wait3A_28 = tpu.memref_slice %arg4[%run_scoped3A_18, %add3A_11, %dma_wait3A_27] : memref<1x8192x1024xf32, #tpu.memory_space<hbm>> -> memref<1x32x1024xf32, #tpu.memory_space<hbm>>
        %dma_wait3A_29 = tpu.memref_squeeze %dma_wait3A_28 : memref<1x32x1024xf32, #tpu.memory_space<hbm>> -> memref<32x1024xf32, #tpu.memory_space<hbm>>
        tpu.wait_dma2 semaphore(%run_scoped3A_19 : memref<!tpu.dma_semaphore, #tpu.memory_space<semaphore_mem>>) src(%arg6 : memref<32x1024xf32, #tpu.memory_space<vmem>>) dst(%dma_wait3A_29 : memref<32x1024xf32, #tpu.memory_space<hbm>>)
        tpu.yield
      }) : () -> ()
    }
    %scan3A_7 = arith.constant 8 : i32
    return
  }
}

module attributes {stable_mosaic.version = 14 : i64} {
  func.func @_tc_add_kernel(%arg0: i32, %arg1: i32, %arg2: memref<1x512x1024xf32, #tpu.memory_space<vmem>>, %arg3: memref<512x1024xf32, #tpu.memory_space<vmem>>, %arg4: memref<1x512x1024xf32, #tpu.memory_space<vmem>>) attributes {dimension_semantics = [#tpu.dimension_semantics<arbitrary>, #tpu.dimension_semantics<arbitrary>], iteration_bounds = array<i64: 16, 3>, scalar_prefetch = 0 : i64, scratch_operands = 0 : i64, tpu.core_type = #tpu.core_type<tc>, window_params = [{transform_indices = @transform_0, window_bounds = array<i64: 1, 512, 1024>}, {transform_indices = @transform_1, window_bounds = array<i64: 512, 1024>}, {transform_indices = @transform_2, window_bounds = array<i64: 1, 512, 1024>}]} {
    %get3A = arith.constant 0 : index
    %get3A_0 = arith.constant 0 : index
    %get3A_1 = arith.constant 0 : index
    %get3A_2 = vector.load %arg2[%get3A, %get3A_0, %get3A_1] : memref<1x512x1024xf32, #tpu.memory_space<vmem>>, vector<1x512x1024xf32>
    %get3A_3 = arith.constant 0 : index
    %get3A_4 = arith.constant 0 : index
    %get3A_5 = vector.load %arg3[%get3A_3, %get3A_4] : memref<512x1024xf32, #tpu.memory_space<vmem>>, vector<512x1024xf32>
    %broadcast_in_dim3A = vector.shape_cast %get3A_5 : vector<512x1024xf32> to vector<1x512x1024xf32>
    %add3A = arith.addf %get3A_2, %broadcast_in_dim3A : vector<1x512x1024xf32>
    %swap3A = arith.constant 0 : index
    %swap3A_6 = arith.constant 0 : index
    %swap3A_7 = arith.constant 0 : index
    %swap3A_8 = vector.load %arg4[%swap3A, %swap3A_6, %swap3A_7] : memref<1x512x1024xf32, #tpu.memory_space<vmem>>, vector<1x512x1024xf32>
    tpu.vector_store %arg4[%swap3A, %swap3A_6, %swap3A_7], %add3A {strides = array<i32>} : memref<1x512x1024xf32, #tpu.memory_space<vmem>>, vector<1x512x1024xf32>,
    return
  }
  func.func @transform_0(%arg0: i32, %arg1: i32) -> (i32, i32, i32) {
    %c0_i32 = arith.constant 0 : i32
    %c0_i32_0 = arith.constant 0 : i32
    return %arg1, %arg0, %c0_i32 : i32, i32, i32
  }
  func.func @transform_1(%arg0: i32, %arg1: i32) -> (i32, i32) {
    %c0_i32 = arith.constant 0 : i32
    %c0_i32_0 = arith.constant 0 : i32
    return %arg0, %c0_i32 : i32, i32
  }
  func.func @transform_2(%arg0: i32, %arg1: i32) -> (i32, i32, i32) {
    %c0_i32 = arith.constant 0 : i32
    %c0_i32_0 = arith.constant 0 : i32
    return %arg1, %arg0, %c0_i32 : i32, i32, i32
  }
}

</mosaic_0001>

<sc_bundles>
// kernel: compute_on.5.cloned.1.call-start
scs
__scs_entry_jumppad:
0x0: {  	(pc) =	sbr.rel $0x88, $3  }
0x1: {  	(tag) =	ssettag $0x0;
	lr =	simm.s32 $0x1  }
0x2: {  	[smem:$0x3F9F] =	sst lr;
	_ =	strace $0xD0000000  }
0x3: {  	_ = 	snop  }
0x4: {  	_ = 	snop  }
0x5: {  	_ = 	snop  }
0x6: {  	_ = 	snop  }
0x7: {  	_ = 	snop  }
__scs_overlays_trampoline_lowered:
0x8: {  	[smem:$0x3FAE] =	sst s0  }
0x9: {  	[smem:$0x3FAF] =	sst s1  }
0xa: {  	[smem:$0x3FB0] =	sst s2  }
0xb: {  	[smem:$0x3FB1] =	sst s3  }
0xc: {  	[smem:$0x3FB2] =	sst s4  }
0xd: {  	[smem:$0x3FB3] =	sst s5  }
0xe: {  	[smem:$0x3FB4] =	sst s6  }
0xf: {  	[smem:$0x3FB5] =	sst s7  }
0x10: {  	[smem:$0x3FB6] =	sst s8  }
0x11: {  	[smem:$0x3FB7] =	sst s9;
	s0 =	simm.s32 @!p0 $0x0  }
0x12: {  	s1 =	sld [smem:$0x3F9D];
	s0 =	simm.s32 @p0 $0x1  }
0x13: {  	[smem:$0x3FB8] =	sst s0;
	s0 =	simm.s32 @!p1 $0x0  }
0x14: {  	s2 =	sld [smem:$0x3F9C];
	s0 =	simm.s32 @p1 $0x1  }
0x15: {  	[smem:$0x3FB9] =	sst s0;
	s0 =	simm.s32 @!p2 $0x0  }
0x16: {  	s3 =	sld [smem:$0x3FDB];
	s0 =	simm.s32 @p2 $0x1  }
0x17: {  	s4 =	simm.s32 $0x1BF5;
	[smem:$0x3FBB] =	sst s0  }
0x18: {  	s0 =	sld [smem:$0x3F9E];
	_ =	swait.ge [sflag:s4], $0x0  }
0x19: {  	s7 =	sld [smem:$0x3F9F]  }
0x1a: {  	s8 =	sadd.s32 $0xFFFFE003, lr  }
0x1b: {  	s9 =	sadd.s32 $0xFFFFFEF7, lr;
	s5 =	simm.s32 $0xFFFFFFFF;
	p2 =	slt.u32 s8, $0xFFFFF086  }
0x1c: {  	p1 =	slt.u32 s9, $0xF7A;
	s5 =	simm.s32 @!p2 $0x0  }
0x1d: {  	s5 =	simm.s32 @p1 $0x1;
	p0 =	seq.s32 s7, s2  }
0x1e: {  	s7 =	smul.u32 @!p0 $0xF7A, s2;
	p2 =	seq.s32 @!p0 s5, $0x0  }
0x1f: {  	s9 =	smul.u32 $0xF7A, s1;
	s8 =	simm.s32 @!p0 $0x1BF5;
	p2 =	por !p2, p0  }
0x20: {  	[sflag:s8] =	ssyncset.s32 @!p0 $0xFFFFF086;
	s6 =	sadd.s32 @!p0 s3, s7;
	s7 =	simm.s32 @!p0 $0x108  }
0x21: {  	s3 =	sadd.s32 s3, s9;
	s6 =	sadd.s32 @!p0 $0x88, s6;
	s7 =	simm.s32 @p2 $0x1082  }
0x22: {  	[simem:s7], [sflag:s8] =	dma.local @!p0 [hbm:s6], $0xF7A  }
0x23: {  	s9 =	sor.u32 $0xD0000000, s2;
	s6 =	simm.s32 $0x108;
	_ =	swait.ge @!p0 [sflag:s8], $0x0  }
0x24: {  	s3 =	sadd.s32 $0x88, s3;
	s6 =	simm.s32 @!p1 $0x1082;
	[sflag:s4] =	ssyncset.s32 $0xFFFFF086  }
0x25: {  	[simem:s6], [sflag:s4] =	dma.local [hbm:s3], $0xF7A  }
0x26: {  	[smem:$0x3F9F] =	sst s1;
	(tag) =	ssettag s2;
	_ =	strace s9  }
0x27: {  	s1 =	sld [smem:$0x3FAF]  }
0x28: {  	s2 =	sld [smem:$0x3FB0]  }
0x29: {  	s4 =	sld [smem:$0x3FB2]  }
0x2a: {  	p0 =	seq.s32 s5, $0x0;
	s5 =	sld [smem:$0x3FB3]  }
0x2b: {  	s6 =	sld [smem:$0x3FB4]  }
0x2c: {  	s7 =	sld [smem:$0x3FB5]  }
0x2d: {  	s3 =	simm.s32 $0x108;
	s8 =	sld [smem:$0x3FB6]  }
0x2e: {  	s3 =	simm.s32 @!p0 $0x1082;
	s9 =	sld [smem:$0x3FB7]  }
0x2f: {  	lr =	sadd.s32 s0, s3;
	s0 =	sld [smem:$0x3FAE]  }
0x30: {  	s3 =	sld [smem:$0x3FB1]  }
0x31: {  	[smem:$0x3FBA] =	sst s10  }
0x32: {  	s10 =	sld [smem:$0x3FB8];
	_ =	sdelay $0x3  }
0x33: {  	p0 =	seq.s32 s10, $0x1;
	s10 =	sld [smem:$0x3FBA];
	_ =	sdelay $0x3  }
0x34: {  	[smem:$0x3FBA] =	sst s10  }
0x35: {  	s10 =	sld [smem:$0x3FB9];
	_ =	sdelay $0x3  }
0x36: {  	p1 =	seq.s32 s10, $0x1;
	s10 =	sld [smem:$0x3FBA];
	_ =	sdelay $0x3  }
0x37: {  	[smem:$0x3FBA] =	sst s10  }
0x38: {  	s10 =	sld [smem:$0x3FBB]  }
0x39: {  	_ = 	snop;
	(pc) =	sbr.ind lr, $3  }
0x3a: {  	_ = 	snop  }
0x3b: {  	_ = 	snop  }
0x3c: {  	p2 =	seq.s32 s10, $0x1;
	s10 =	sld [smem:$0x3FBA]  }
0x3d: {  	_ =	shalt  }
0x3e: {  	_ =	shalt  }
0x3f: {  	_ =	shalt  }
0x40: {  	_ =	shalt  }
0x41: {  	_ =	shalt  }
0x42: {  	_ =	shalt  }
0x43: {  	_ =	shalt  }
0x44: {  	_ =	shalt  }
0x45: {  	_ =	shalt  }
0x46: {  	_ =	shalt  }
0x47: {  	_ =	shalt  }
0x48: {  	_ =	shalt  }
0x49: {  	_ =	shalt  }
0x4a: {  	_ =	shalt  }
0x4b: {  	_ =	shalt  }
0x4c: {  	_ =	shalt  }
0x4d: {  	_ =	shalt  }
0x4e: {  	_ =	shalt  }
0x4f: {  	_ =	shalt  }
0x50: {  	_ =	shalt  }
0x51: {  	_ =	shalt  }
0x52: {  	_ =	shalt  }
0x53: {  	_ =	shalt  }
0x54: {  	_ =	shalt  }
0x55: {  	_ =	shalt  }
0x56: {  	_ =	shalt  }
0x57: {  	_ =	shalt  }
0x58: {  	_ =	shalt  }
0x59: {  	_ =	shalt  }
0x5a: {  	_ =	shalt  }
0x5b: {  	_ =	shalt  }
0x5c: {  	_ =	shalt  }
0x5d: {  	_ =	shalt  }
0x5e: {  	_ =	shalt  }
0x5f: {  	_ =	shalt  }
0x60: {  	_ =	shalt  }
0x61: {  	_ =	shalt  }
0x62: {  	_ =	shalt  }
0x63: {  	_ =	shalt  }
0x64: {  	_ =	shalt  }
0x65: {  	_ =	shalt  }
0x66: {  	_ =	shalt  }
0x67: {  	_ =	shalt  }
0x68: {  	_ =	shalt  }
0x69: {  	_ =	shalt  }
0x6a: {  	_ =	shalt  }
0x6b: {  	_ =	shalt  }
0x6c: {  	_ =	shalt  }
0x6d: {  	_ =	shalt  }
0x6e: {  	_ =	shalt  }
0x6f: {  	_ =	shalt  }
0x70: {  	_ =	shalt  }
0x71: {  	_ =	shalt  }
0x72: {  	_ =	shalt  }
0x73: {  	_ =	shalt  }
0x74: {  	_ =	shalt  }
0x75: {  	_ =	shalt  }
0x76: {  	_ =	shalt  }
0x77: {  	_ =	shalt  }
0x78: {  	_ =	shalt  }
0x79: {  	_ =	shalt  }
0x7a: {  	_ =	shalt  }
0x7b: {  	_ =	shalt  }
0x7c: {  	_ =	shalt  }
0x7d: {  	_ =	shalt  }
0x7e: {  	_ =	shalt  }
0x7f: {  	_ =	shalt  }
0x80: {  	_ =	shalt  }
0x81: {  	_ =	shalt  }
0x82: {  	_ =	shalt  }
0x83: {  	_ =	shalt  }
0x84: {  	_ =	shalt  }
0x85: {  	_ =	shalt  }
0x86: {  	_ =	shalt  }
0x87: {  	_ =	shalt  }
.Lfunc_end0:
.L_simem_size_0:
called_computation_lowered:
.L_overlay_start_0:
0x88: {  	s2 =	sld [smem:$0x3FD9]  }
0x89: {  	s3 =	sld [smem:$0x3FFE];
	_ =	sdelay $0x1  }
0x8a: {  	s1 =	srdreg.scid  }
0x8b: {  	s0 =	sand.u32 $0x1, s1  }
0x8c: {  	s17 =	sshll.u32 s0, $0xA;
	s2 =	sadd.s32 s3, s2  }
0x8d: {  	s2 =	sadd.s32 s2, s17  }
0x8e: {  	[smem:$0x3FC6] =	sst s2  }
0x8f: {  	_ = 	snop  }
0x90: {  	s2 =	sld [smem:$0x3FC9]  }
0x91: {  	s18 =	sld [smem:$0x3FC8];
	(tm) =	ssettm $0x1  }
0x92: {  	s4 =	sld [smem:$0x3FFB];
	_ =	sdelay $0x3  }
0x93: {  	_ =	strace s4  }
0x94: {  	s4 =	sld [smem:$0x3FFC];
	_ =	sdelay $0x3  }
0x95: {  	_ =	strace s4  }
0x96: {  	s4 =	sld [smem:$0x3FFD];
	_ =	sdelay $0x3  }
0x97: {  	_ =	strace s4  }
0x98: {  	_ =	strace $0x8FFFFFFF  }
0x99: {  	s19 =	sld [smem:$0x3FDB];
	_ =	sdelay $0x1  }
0x9a: {  	s5 =	simm.s32 $_scs_section_size  }
0x9b: {  	s6 =	simm.s32 $_size__tile_overlayer_lowered;
	s7 =	simm.s32 $_tile_overlayer_lowered  }
0x9c: {  	s22 =	simm.s32 $0x1BFF;
	s21 =	sshll.u32 s7, $0x1;
	s4 =	sadd.s32 s5, s19  }
0x9d: {  	s8 =	simm.s32 $0x0;
	s20 =	sshll.u32 s6, $0x1;
	s6 =	sadd.s32 s21, s4  }
0x9e: {  	[timem:s8], [sflag:s22] =	dma.local [hbm:s6], s20  }
0x9f: {  	_ =	swait.ge [sflag:s22], s20  }
0xa0: {  	s5 =	ssub.s32 $0x0, s20;
	[sflag:s22] =	ssyncset.done $0x0  }
0xa1: {  	[sflag:s22] =	ssyncadd.s32 s5;
	_ =	sdelay $0x1  }
0xa2: {  	s23 =	simm.s32 $0x1B8B  }
0xa3: {  	_ =	swait.ge [sflag:s23], $0x1  }
0xa4: {  	[sflag:s23] =	ssyncset.done $0x0  }
0xa5: {  	s25 =	simm.s32 $0x1B8E;
	s24 =	sld [smem:$0x3FFE];
	[sflag:s23] =	ssyncadd.s32 $0xFFFFFFFF  }
0xa6: {  	s26 =	simm.s32 $execute0_lowered;
	[smem:$0x3FD2] =	sst s25  }
0xa7: {  	s6 =	sshll.u32 s26, $0x1;
	_ =	strace $0x80000046;
	[dreg:$0x1] =	wrdreg $0xFFFFFFFF  }
0xa8: {  	s28 =	simm.s32 $_size_execute0_lowered;
	s4 =	sadd.s32 s4, s6;
	[dreg:$0x0] =	wrdreg $0x0  }
0xa9: {  	s6 =	sshll.u32 s28, $0x1;
	[dreg:$0x2] =	wrdreg s4  }
0xaa: {  	[dreg:$0x3] =	wrdreg s6  }
0xab: {  	[dreg:$0x4] =	wrdreg $0xC0  }
0xac: {  	_ =	task [dreg:s8], $0x5FFFF  }
0xad: {  	[dreg:$0x1] =	wrdreg $0xFFFFFFFF  }
0xae: {  	[dreg:$0x0] =	wrdreg $0x60  }
0xaf: {  	[dreg:$0x2] =	wrdreg s2  }
0xb0: {  	[dreg:$0x3] =	wrdreg s18  }
0xb1: {  	[dreg:$0x4] =	wrdreg s24  }
0xb2: {  	[dreg:$0x5] =	wrdreg $0x9  }
0xb3: {  	_ =	task.clear_ibuf [dreg:s8], $0x6FFFF;
	_ =	strace $0x90000046  }
0xb4: {  	s29 =	simm.s32 $0x9;
	_ =	strace $0x80000048  }
0xb5: {  	_ =	swait.ge [sflag:s29], $0x1  }
0xb6: {  	[sflag:s29] =	ssyncadd.s32 $0xFFFFFFFF  }
0xb7: {  	_ =	strace $0x90000048  }
0xb8: {  	_ =	sfence  }
0xb9: {  	s30 =	sld [smem:$0x0];
	_ =	sdelay $0x2  }
0xba: {  	s31 =	sshll.u32 s1, $0xD;
	s1 =	sshrl.u32 s1, $0x2  }
0xbb: {  	s3 =	sand.u32 $0x4000, s31;
	s1 =	sadd.s32 s1, s30  }
0xbc: {  	s0 =	sor.u32 s3, s0;
	s1 =	sshll.u32 s1, $0x11  }
0xbd: {  	s0 =	sor.u32 s1, s0  }
0xbe: {  	s0 =	sadd.s32 $0x8F2B, s0  }
0xbf: {  	[sflag:s0] =	ssyncadd.remote.s32 $0x1  }
0xc0: {  	_ =	sfence.sel $0xFFFF  }
0xc1: {  	[dreg:$0x0] =	wrdreg $0xFFFFFFFF;
	(pc) =	sbr.abs _section_cstart, $3  }
0xc2: {  	[dreg:$0x1] =	wrdreg $0xFFFFFFFF  }
0xc3: {  	_ =	task.clear_ibuf [dreg:s8], $0x2FFFF;
	_ =	strace $0x9FFFFFFF  }
0xc4: {  	(tm) =	ssettm $0x7FFFFFFF  }
0xc5: {  	_ =	shalt  }
tec
execute0_lowered:
.L_overlay_start_1:
0x0: {  	(tag) =	ssettag $0x1  }
0x1: {  	s6 =	rddreg [dreg:$0x0]  }
0x2: {  	s1 =	rddreg [dreg:$0x1]  }
0x3: {  	s3 =	rddreg [dreg:$0x2]  }
0x4: {  	s0 =	rddreg [dreg:$0x3]  }
0x5: {  	s2 =	simm.s32 $0x0;
	s4 =	srdreg.scid;
	s9 =	simm.s32 $0x8000  }
0x6: {  	s10 =	simm.s32 $0x0;
	[smem:$0x7FF] =	sst s2;
	s5 =	sand.u32 $0x1, s4  }
0x7: {  	s4 =	sadd.s32 $0x400, s3;
	s3 =	stileid.u32;
	s7 =	ssub.s32 $0x2, s5  }
0x8: {  	s6 =	sadd.s32 $0x300000, s6;
	_ =	strace $0x80000047;
	s8 =	sshrl.u32 s7, $0x1  }
0x9: {  	s31 =	sshll.u32 s3, $0x10;
	s5 =	sshll.u32 s5, $0xF;
	s7 =	ssub.s32 s7, s8  }
0xa: {  	s5 =	sor.u32 s5, s31;
	s8 =	simm.s32 $0x1;
	s7 =	smax.u32 s7, $0x1  }
.LBB2_1:
0xb: {  	s11 =	simm.s32 $0x0  }
.LBB2_2:
0xc: {  	s12 =	sshll.u32 s11, $0xC  }
0xd: {  	s12 =	sadd.s32 s5, s12  }
0xe: {  	s13 =	simm.s32 $0x0;
	s14 =	sadd.s32 s1, s12  }
0xf: {  	[tilespmem:s13], [sflag:$0x1] =	stream.linear.gather [hbm4b:s14+s13], $0x8000, $0x38;
	[tilespmem:$0x10000] =	vst v63  }
0x10: {  	_ =	swait.ge [sflag:s8], $0x8000  }
0x11: {  	[sflag:s8] =	ssyncset.done $0x0  }
0x12: {  	s31 =	sadd.s32 s12, s6;
	[sflag:s8] =	ssyncadd.s32 $0xFFFF8000  }
0x13: {  	[tilespmem:s9], [sflag:$0x1] =	stream.linear.gather [hbm4b:s31+s13], $0x8000, $0x38;
	[tilespmem:$0x10000] =	vst v63  }
0x14: {  	_ =	swait.ge [sflag:s8], $0x8000  }
0x15: {  	s15 =	simm.s32 $0x0;
	[sflag:s8] =	ssyncset.done $0x0  }
0x16: {  	s16 =	simm.s32 $0x0;
	s14 =	simm.s32 $0xFFFF8000;
	[sflag:s8] =	ssyncadd.s32 $0xFFFF8000  }
.LBB2_3:
0x17: {  	s17 =	sadd.s32 $0x8000, s14  }
0x18: {  	s18 =	sand.u32 $0x380, s16;
	s17 =	sand.u32 $0x6000, s17  }
0x19: {  	s17 =	sor.u32 s18, s17  }
0x1a: {  	v0 =	vld [tilespmem:s17+$0x8000]  }
0x1b: {  	v1 =	vld [tilespmem:s17+$0x0]  }
0x1c: {  	v2 =	vld [tilespmem:s17+$0x8010]  }
0x1d: {  	v3 =	vld [tilespmem:s17+$0x10]  }
0x1e: {  	v4 =	vld [tilespmem:s17+$0x8020]  }
0x1f: {  	v5 =	vld [tilespmem:s17+$0x20]  }
0x20: {  	v6 =	vld [tilespmem:s17+$0x8030]  }
0x21: {  	v7 =	vld [tilespmem:s17+$0x30]  }
0x22: {  	v8 =	vld [tilespmem:s17+$0x8040]  }
0x23: {  	v9 =	vld [tilespmem:s17+$0x40]  }
0x24: {  	v10 =	vld [tilespmem:s17+$0x8050]  }
0x25: {  	v11 =	vld [tilespmem:s17+$0x50]  }
0x26: {  	v12 =	vld [tilespmem:s17+$0x8060]  }
0x27: {  	v13 =	vld [tilespmem:s17+$0x60]  }
0x28: {  	v14 =	vld [tilespmem:s17+$0x8070]  }
0x29: {  	v15 =	vld [tilespmem:s17+$0x70]  }
0x2a: {  	v16 =	vld [tilespmem:s17+$0x8400]  }
0x2b: {  	v17 =	vld [tilespmem:s17+$0x400]  }
0x2c: {  	v18 =	vld [tilespmem:s17+$0x8410]  }
0x2d: {  	v19 =	vld [tilespmem:s17+$0x410]  }
0x2e: {  	v20 =	vld [tilespmem:s17+$0x8420]  }
0x2f: {  	v21 =	vld [tilespmem:s17+$0x420]  }
0x30: {  	v22 =	vld [tilespmem:s17+$0x8430]  }
0x31: {  	v23 =	vld [tilespmem:s17+$0x430]  }
0x32: {  	v24 =	vld [tilespmem:s17+$0x8440]  }
0x33: {  	v25 =	vld [tilespmem:s17+$0x440]  }
0x34: {  	v26 =	vld [tilespmem:s17+$0x8450]  }
0x35: {  	v27 =	vld [tilespmem:s17+$0x450]  }
0x36: {  	v28 =	vld [tilespmem:s17+$0x8460]  }
0x37: {  	v29 =	vld [tilespmem:s17+$0x460]  }
0x38: {  	v30 =	vld [tilespmem:s17+$0x8470]  }
0x39: {  	v31 =	vld [tilespmem:s17+$0x470]  }
0x3a: {  	v32 =	vld [tilespmem:s17+$0x8800]  }
0x3b: {  	v33 =	vld [tilespmem:s17+$0x800]  }
0x3c: {  	v34 =	vld [tilespmem:s17+$0x8810]  }
0x3d: {  	v35 =	vld [tilespmem:s17+$0x810]  }
0x3e: {  	v36 =	vld [tilespmem:s17+$0x8820]  }
0x3f: {  	v37 =	vld [tilespmem:s17+$0x820]  }
0x40: {  	v38 =	vld [tilespmem:s17+$0x8830]  }
0x41: {  	v39 =	vld [tilespmem:s17+$0x830]  }
0x42: {  	v40 =	vld [tilespmem:s17+$0x8840]  }
0x43: {  	v41 =	vld [tilespmem:s17+$0x840]  }
0x44: {  	v42 =	vld [tilespmem:s17+$0x8850]  }
0x45: {  	v43 =	vld [tilespmem:s17+$0x850]  }
0x46: {  	v44 =	vld [tilespmem:s17+$0x8860]  }
0x47: {  	v45 =	vld [tilespmem:s17+$0x860]  }
0x48: {  	v46 =	vld [tilespmem:s17+$0x8870]  }
0x49: {  	v47 =	vld [tilespmem:s17+$0x870]  }
0x4a: {  	v48 =	vld [tilespmem:s17+$0x8C00]  }
0x4b: {  	v49 =	vld [tilespmem:s17+$0xC00]  }
0x4c: {  	v50 =	vld [tilespmem:s17+$0x8C10]  }
0x4d: {  	v51 =	vld [tilespmem:s17+$0xC10]  }
0x4e: {  	v52 =	vld [tilespmem:s17+$0x8C20]  }
0x4f: {  	v53 =	vld [tilespmem:s17+$0xC20]  }
0x50: {  	v54 =	vld [tilespmem:s17+$0x8C30]  }
0x51: {  	v55 =	vld [tilespmem:s17+$0xC30]  }
0x52: {  	v56 =	vld [tilespmem:s17+$0x8C40]  }
0x53: {  	v57 =	vld [tilespmem:s17+$0xC40]  }
0x54: {  	v58 =	vld [tilespmem:s17+$0x8C50]  }
0x55: {  	v59 =	vld [tilespmem:s17+$0xC50]  }
0x56: {  	v60 =	vld [tilespmem:s17+$0x8C60]  }
0x57: {  	v0 =	vadd.f32 v1, v0;
	v1 =	vld [tilespmem:s17+$0xC60]  }
0x58: {  	v2 =	vadd.f32 v3, v2;
	v3 =	vld [tilespmem:s17+$0x8C70]  }
0x59: {  	v63 =	vadd.f32 v5, v4;
	v4 =	vld [tilespmem:s17+$0xC70];
	[tilespmem:s17+$0x8000] =	vst v0  }
0x5a: {  	v61 =	vadd.f32 v7, v6;
	v5 =	vld [tilespmem:s17+$0x9000];
	[tilespmem:s17+$0x8010] =	vst v2  }
0x5b: {  	v62 =	vadd.f32 v9, v8;
	v6 =	vld [tilespmem:s17+$0x1000];
	[tilespmem:s17+$0x8020] =	vst v63  }
0x5c: {  	v7 =	vld [tilespmem:s17+$0x9010];
	v13 =	vadd.f32 v13, v12;
	[tilespmem:s17+$0x8030] =	vst v61  }
0x5d: {  	v8 =	vld [tilespmem:s17+$0x1010];
	v15 =	vadd.f32 v15, v14;
	[tilespmem:s17+$0x8040] =	vst v62  }
0x5e: {  	v9 =	vld [tilespmem:s17+$0x9020];
	v17 =	vadd.f32 v17, v16;
	[tilespmem:s17+$0x8060] =	vst v13  }
0x5f: {  	v19 =	vadd.f32 v19, v18;
	v12 =	vld [tilespmem:s17+$0x1030];
	[tilespmem:s17+$0x8070] =	vst v15  }
0x60: {  	v21 =	vadd.f32 v21, v20;
	v14 =	vld [tilespmem:s17+$0x1040];
	[tilespmem:s17+$0x8400] =	vst v17  }
0x61: {  	v23 =	vadd.f32 v23, v22;
	v16 =	vld [tilespmem:s17+$0x1050];
	[tilespmem:s17+$0x8410] =	vst v19  }
0x62: {  	v25 =	vadd.f32 v25, v24;
	v20 =	vld [tilespmem:s17+$0x1070];
	[tilespmem:s17+$0x8420] =	vst v21  }
0x63: {  	v27 =	vadd.f32 v27, v26;
	v22 =	vld [tilespmem:s17+$0x1400];
	[tilespmem:s17+$0x8430] =	vst v23  }
0x64: {  	v29 =	vadd.f32 v29, v28;
	v24 =	vld [tilespmem:s17+$0x1410];
	[tilespmem:s17+$0x8440] =	vst v25  }
0x65: {  	v28 =	vadd.f32 v37, v36;
	v37 =	vld [tilespmem:s17+$0x9430];
	[tilespmem:s17+$0x8450] =	vst v27  }
0x66: {  	v36 =	vadd.f32 v51, v50;
	v51 =	vld [tilespmem:s17+$0x1460];
	[tilespmem:s17+$0x8460] =	vst v29  }
0x67: {  	v63 =	vadd.f32 v11, v10;
	v10 =	vld [tilespmem:s17+$0x1020];
	[tilespmem:s17+$0x8820] =	vst v28  }
0x68: {  	v11 =	vld [tilespmem:s17+$0x9030];
	v61 =	vadd.f32 v31, v30;
	[tilespmem:s17+$0x8C10] =	vst v36  }
0x69: {  	v13 =	vld [tilespmem:s17+$0x9040];
	v62 =	vadd.f32 v33, v32;
	[tilespmem:s17+$0x8050] =	vst v63  }
0x6a: {  	v15 =	vld [tilespmem:s17+$0x9050];
	v27 =	vadd.f32 v35, v34;
	[tilespmem:s17+$0x8470] =	vst v61  }
0x6b: {  	v17 =	vld [tilespmem:s17+$0x9060];
	v29 =	vadd.f32 v39, v38;
	[tilespmem:s17+$0x8800] =	vst v62  }
0x6c: {  	v19 =	vld [tilespmem:s17+$0x9070];
	v30 =	vadd.f32 v41, v40;
	[tilespmem:s17+$0x8810] =	vst v27  }
0x6d: {  	v21 =	vld [tilespmem:s17+$0x9400];
	v31 =	vadd.f32 v43, v42;
	[tilespmem:s17+$0x8830] =	vst v29  }
0x6e: {  	v23 =	vld [tilespmem:s17+$0x9410];
	v32 =	vadd.f32 v45, v44;
	[tilespmem:s17+$0x8840] =	vst v30  }
0x6f: {  	v33 =	vadd.f32 v47, v46;
	v25 =	vld [tilespmem:s17+$0x9420];
	[tilespmem:s17+$0x8850] =	vst v31  }
0x70: {  	v34 =	vadd.f32 v49, v48;
	v35 =	vld [tilespmem:s17+$0x1420];
	[tilespmem:s17+$0x8860] =	vst v32  }
0x71: {  	v38 =	vadd.f32 v53, v52;
	v39 =	vld [tilespmem:s17+$0x1430];
	[tilespmem:s17+$0x8870] =	vst v33  }
0x72: {  	v40 =	vadd.f32 v55, v54;
	v41 =	vld [tilespmem:s17+$0x9440];
	[tilespmem:s17+$0x8C00] =	vst v34  }
0x73: {  	v42 =	vadd.f32 v57, v56;
	v43 =	vld [tilespmem:s17+$0x1440];
	[tilespmem:s17+$0x8C20] =	vst v38  }
0x74: {  	v44 =	vadd.f32 v59, v58;
	v45 =	vld [tilespmem:s17+$0x9450];
	[tilespmem:s17+$0x8C30] =	vst v40  }
0x75: {  	v47 =	vld [tilespmem:s17+$0x1450];
	[tilespmem:s17+$0x8C40] =	vst v42;
	v46 =	vadd.f32 v1, v60  }
0x76: {  	v49 =	vld [tilespmem:s17+$0x9460];
	[tilespmem:s17+$0x8C50] =	vst v44;
	v48 =	vadd.f32 v4, v3  }
0x77: {  	v53 =	vld [tilespmem:s17+$0x9470];
	v50 =	vadd.f32 v6, v5;
	[tilespmem:s17+$0x8C60] =	vst v46  }
0x78: {  	v55 =	vld [tilespmem:s17+$0x1470];
	v52 =	vadd.f32 v8, v7;
	[tilespmem:s17+$0x8C70] =	vst v48  }
0x79: {  	v57 =	vld [tilespmem:s17+$0x9800];
	[tilespmem:s17+$0x9000] =	vst v50;
	v54 =	vadd.f32 v10, v9  }
0x7a: {  	v59 =	vld [tilespmem:s17+$0x1800];
	[tilespmem:s17+$0x9010] =	vst v52;
	v56 =	vadd.f32 v12, v11  }
0x7b: {  	v36 =	vld [tilespmem:s17+$0x1830];
	v58 =	vadd.f32 v14, v13;
	[tilespmem:s17+$0x9020] =	vst v54  }
0x7c: {  	v63 =	vld [tilespmem:s17+$0x1060];
	v60 =	vadd.f32 v16, v15;
	[tilespmem:s17+$0x9030] =	vst v56  }
0x7d: {  	v61 =	vld [tilespmem:s17+$0x9810];
	v19 =	vadd.f32 v20, v19;
	[tilespmem:s17+$0x9040] =	vst v58  }
0x7e: {  	v32 =	vld [tilespmem:s17+$0x1820];
	v22 =	vadd.f32 v22, v21;
	[tilespmem:s17+$0x9050] =	vst v60  }
0x7f: {  	v34 =	vld [tilespmem:s17+$0x9830];
	v33 =	vadd.f32 v24, v23;
	[tilespmem:s17+$0x9070] =	vst v19  }
0x80: {  	v38 =	vld [tilespmem:s17+$0x9840];
	v35 =	vadd.f32 v35, v25;
	[tilespmem:s17+$0x9400] =	vst v22  }
0x81: {  	v40 =	vld [tilespmem:s17+$0x9850];
	v37 =	vadd.f32 v39, v37;
	[tilespmem:s17+$0x9410] =	vst v33  }
0x82: {  	v20 =	vld [tilespmem:s17+$0x9820];
	v39 =	vadd.f32 v43, v41;
	[tilespmem:s17+$0x9420] =	vst v35  }
0x83: {  	v1 =	vadd.f32 v47, v45;
	v41 =	vld [tilespmem:s17+$0x1850];
	[tilespmem:s17+$0x9430] =	vst v37  }
0x84: {  	v42 =	vadd.f32 v51, v49;
	v43 =	vld [tilespmem:s17+$0x9860];
	[tilespmem:s17+$0x9440] =	vst v39  }
0x85: {  	v44 =	vadd.f32 v55, v53;
	v45 =	vld [tilespmem:s17+$0x1860];
	[tilespmem:s17+$0x9450] =	vst v1  }
0x86: {  	v46 =	vadd.f32 v59, v57;
	v47 =	vld [tilespmem:s17+$0x9870];
	[tilespmem:s17+$0x9460] =	vst v42  }
0x87: {  	v49 =	vld [tilespmem:s17+$0x1870];
	v62 =	vadd.f32 v63, v17;
	[tilespmem:s17+$0x9470] =	vst v44  }
0x88: {  	v63 =	vld [tilespmem:s17+$0x1810];
	[tilespmem:s17+$0x9800] =	vst v46;
	v52 =	vadd.f32 v36, v34  }
0x89: {  	v51 =	vld [tilespmem:s17+$0x1840];
	[tilespmem:s17+$0x9060] =	vst v62;
	v50 =	vadd.f32 v32, v20  }
0x8a: {  	[tilespmem:s17+$0x9830] =	vst v52;
	v53 =	vadd.f32 v41, v40  }
0x8b: {  	v54 =	vadd.f32 v45, v43;
	[tilespmem:s17+$0x9820] =	vst v50  }
0x8c: {  	s23 =	sand.u32 $0x7, s13;
	v55 =	vadd.f32 v49, v47;
	[tilespmem:s17+$0x9850] =	vst v53  }
0x8d: {  	s18 =	sshll.u32 s23, $0x7;
	v48 =	vadd.f32 v63, v61;
	[tilespmem:s17+$0x9860] =	vst v54  }
0x8e: {  	s18 =	sadd.s32 s18, s15;
	v56 =	vadd.f32 v51, v38;
	[tilespmem:s17+$0x9870] =	vst v55  }
0x8f: {  	s19 =	sor.u32 $0x1C00, s18;
	[tilespmem:s17+$0x9810] =	vst v48  }
0x90: {  	[tilespmem:s17+$0x9840] =	vst v56;
	v0 =	vld [tilespmem:s19+$0x8000]  }
0x91: {  	v1 =	vld [tilespmem:s19+$0x0];
	_ =	sdelay $0x4  }
0x92: {  	v0 =	vadd.f32 v1, v0;
	_ =	sdelay $0x1  }
0x93: {  	s24 =	sor.u32 $0x1C10, s18;
	[tilespmem:s19+$0x8000] =	vst v0  }
0x94: {  	v0 =	vld [tilespmem:s24+$0x8000]  }
0x95: {  	v57 =	vld [tilespmem:s24+$0x0];
	_ =	sdelay $0x4  }
0x96: {  	v0 =	vadd.f32 v57, v0;
	_ =	sdelay $0x1  }
0x97: {  	s25 =	sor.u32 $0x1C20, s18;
	[tilespmem:s24+$0x8000] =	vst v0  }
0x98: {  	v0 =	vld [tilespmem:s25+$0x8000]  }
0x99: {  	v58 =	vld [tilespmem:s25+$0x0];
	_ =	sdelay $0x4  }
0x9a: {  	v0 =	vadd.f32 v58, v0;
	_ =	sdelay $0x1  }
0x9b: {  	s26 =	sor.u32 $0x1C30, s18;
	[tilespmem:s25+$0x8000] =	vst v0  }
0x9c: {  	v0 =	vld [tilespmem:s26+$0x8000]  }
0x9d: {  	v59 =	vld [tilespmem:s26+$0x0];
	_ =	sdelay $0x4  }
0x9e: {  	v0 =	vadd.f32 v59, v0;
	_ =	sdelay $0x1  }
0x9f: {  	s28 =	sor.u32 $0x1C40, s18;
	[tilespmem:s26+$0x8000] =	vst v0  }
0xa0: {  	v0 =	vld [tilespmem:s28+$0x8000]  }
0xa1: {  	v60 =	vld [tilespmem:s28+$0x0];
	_ =	sdelay $0x4  }
0xa2: {  	v0 =	vadd.f32 v60, v0;
	_ =	sdelay $0x1  }
0xa3: {  	s29 =	sor.u32 $0x1C50, s18;
	[tilespmem:s28+$0x8000] =	vst v0  }
0xa4: {  	v0 =	vld [tilespmem:s29+$0x8000]  }
0xa5: {  	v61 =	vld [tilespmem:s29+$0x0];
	_ =	sdelay $0x4  }
0xa6: {  	v0 =	vadd.f32 v61, v0;
	_ =	sdelay $0x1  }
0xa7: {  	s30 =	sor.u32 $0x1C60, s18;
	[tilespmem:s29+$0x8000] =	vst v0  }
0xa8: {  	v0 =	vld [tilespmem:s30+$0x8000]  }
0xa9: {  	v62 =	vld [tilespmem:s30+$0x0];
	_ =	sdelay $0x4  }
0xaa: {  	v0 =	vadd.f32 v62, v0;
	_ =	sdelay $0x1  }
0xab: {  	s31 =	sor.u32 $0x1C70, s18;
	[tilespmem:s30+$0x8000] =	vst v0  }
0xac: {  	v0 =	vld [tilespmem:s31+$0x8000]  }
0xad: {  	v63 =	vld [tilespmem:s31+$0x0];
	_ =	sdelay $0x1  }
0xae: {  	p0 =	sne.s32 s16, $0xF80  }
.Ltmp0:
0xaf: {  	_ = 	snop;
	(pc) =	sbr.rel @p0 .LBB2_3-.Ltmp0, $4  }
0xb0: {  	_ = 	snop  }
0xb1: {  	v0 =	vadd.f32 v63, v0  }
0xb2: {  	s13 =	sadd.s32 $0x1, s13  }
0xb3: {  	s14 =	sadd.s32 $0x400, s14;
	s16 =	sadd.s32 $0x80, s16;
	s15 =	sadd.s32 $0x400, s15;
	[tilespmem:s31+$0x8000] =	vst v0  }
0xb4: {  	s11 =	sadd.s32 $0x1, s11  }
0xb5: {  	p0 =	sne.s32 s11, $0x8  }
.Ltmp1:
0xb6: {  	s12 =	sadd.s32 s4, s12;
	(pc) =	sbr.rel @p0 .LBB2_2-.Ltmp1, $4  }
0xb7: {  	[hbm4b:s12+s2] =	stream.linear.scatter [tilespmem:s9], [sflag:$0x1], $0x8000, $0x38;
	[tilespmem:$0x10000] =	vst v63  }
0xb8: {  	_ =	swait.ge [sflag:s8], $0x8000  }
0xb9: {  	[sflag:s8] =	ssyncset.done $0x0  }
0xba: {  	[sflag:s8] =	ssyncadd.s32 $0xFFFF8000  }
0xbb: {  	s10 =	sadd.s32 $0x1, s10  }
0xbc: {  	p0 =	sne.s32 s10, s7  }
.Ltmp2:
0xbd: {  	_ = 	snop;
	(pc) =	sbr.rel @p0 .LBB2_1-.Ltmp2, $1  }
0xbe: {  	_ =	sdelay $0x3  }
0xbf: {  	_ =	sfence.sel $0x180000  }
0xc0: {  	[bflag:$0x0] =	sbarrier.arrive $0xFFFF  }
0xc1: {  	p0 =	sne.s32 s3, $0x0;
	_ =	strace $0x90000047  }
0xc2: {  	s0 =	sadd.s32 @!p0 $0x100000, s0;
	[bflag:$0x2] =	sbarrier.arrive $0xFFFF  }
0xc3: {  	[sflag:s0] =	ssyncadd.tile.s32 @!p0 $0x1;
	_ =	shalt  }
.Lfunc_end2:
_tile_overlayer_lowered:
.L_overlay_start_2:
0xc4: {  	(tag) =	ssettag $0x2  }
0xc5: {  	s0 =	rddreg [dreg:$0x0];
	s2 =	stileid.u32  }
0xc6: {  	s1 =	rddreg [dreg:$0x1];
	p0 =	sne.s32 s2, $0x0  }
0xc7: {  	s3 =	rddreg [dreg:$0x2];
	[bflag:$0x3] =	sbarrier.arrive $0xFFFF;
	s2 =	simm.s32 @!p0 $0x1C01  }
0xc8: {  	[timem:s3], [sflag:s2] =	dma.local @!p0 [hbm:s0], s1  }
0xc9: {  	s0 =	simm.s32 @!p0 $0x1  }
0xca: {  	_ =	swait.ge @!p0 [sflag:s0], s1  }
0xcb: {  	s1 =	ssub.s32 @!p0 $0x0, s1;
	[sflag:s0] =	ssyncset.done @!p0 $0x0  }
0xcc: {  	[sflag:s0] =	ssyncadd.s32 @!p0 s1  }
0xcd: {  	[bflag:$0x3] =	sbarrier.arrive $0xFFFF  }
0xce: {  	_ =	shalt  }

</sc_bundles>
